<compile_context>
chip_gen: v7x
topology: tpu7x:2x2x1
jax: 0.10.2.dev20260603
libtpu: 0.0.44.dev20260713+nightly
codegen_flags: <defaults>
</compile_context>

<pallas_src>
import functools

import jax
import jax.numpy as jnp
from jax import lax
from jax.experimental import pallas as pl
from jax.experimental.pallas import tpu as pltpu
from jax.experimental.pallas import tpu_sc as plsc

T = 2048
E = 64
H = 768
I = 1024
P = 2560
CHUNK = 64
NC = 2
NSUB = 16
NW = NC * NSUB



def _router_body(l_ref, dest_ref, gate_ref, meta_ref):
    l = l_ref[...]
    m = jnp.max(l, axis=1, keepdims=True)
    s = jnp.sum(jnp.exp(l - m), axis=1, keepdims=True)
    gate_ref[...] = jnp.broadcast_to(1.0 / s, (T, 128))

    oh = (l == m).astype(jnp.float32)
    tri_e = (lax.broadcasted_iota(jnp.int32, (E, E), 0)
             <= lax.broadcasted_iota(jnp.int32, (E, E), 1)).astype(jnp.float32)
    ecum = jnp.dot(oh, tri_e, preferred_element_type=jnp.float32)
    oh = oh * (ecum == 1.0).astype(jnp.float32)

    cnt = jnp.sum(oh, axis=0, keepdims=True)
    cnt_i = cnt.astype(jnp.int32)
    cnt8 = ((cnt_i + 7) & ~7).astype(jnp.float32)
    stri_e = (lax.broadcasted_iota(jnp.int32, (E, E), 0)
              < lax.broadcasted_iota(jnp.int32, (E, E), 1)).astype(jnp.float32)
    offs = jnp.dot(cnt8, stri_e, preferred_element_type=jnp.float32,
                   precision=lax.Precision.HIGHEST)

    B = 256
    tri_b = (lax.broadcasted_iota(jnp.int32, (B, B), 1)
             <= lax.broadcasted_iota(jnp.int32, (B, B), 0)).astype(jnp.float32)

    carry = jnp.zeros((1, E), jnp.float32)
    for b in range(T // B):
        r0 = b * B
        ohb = oh[r0:r0 + B, :]
        cumb = jnp.dot(tri_b, ohb, preferred_element_type=jnp.float32) + carry
        destb = jnp.sum(ohb * (offs + cumb), axis=1, keepdims=True) - 1.0
        dest_ref[r0:r0 + B, :] = destb.astype(jnp.int32)
        carry = carry + jnp.sum(ohb, axis=0, keepdims=True)

    row = jnp.concatenate([offs.astype(jnp.int32), cnt_i], axis=1)
    meta_ref[...] = jnp.broadcast_to(row, (8, 128))


def _router(router_logits):
    return pl.pallas_call(
        _router_body,
        out_shape=(
            jax.ShapeDtypeStruct((T, 1), jnp.int32),
            jax.ShapeDtypeStruct((T, 128), jnp.float32),
            jax.ShapeDtypeStruct((8, 128), jnp.int32),
        ),
    )(router_logits)



@functools.lru_cache(maxsize=None)
def _sc_kernels():
    mesh = plsc.VectorSubcoreMesh(
        core_axis_name="core", subcore_axis_name="subcore")
    bpw = T // NW

    KCH = 4
    CH = bpw // KCH

    @functools.partial(
        pl.kernel,
        out_type=(jax.ShapeDtypeStruct((P, H), jnp.float32),
                  jax.ShapeDtypeStruct((P, 128), jnp.float32)),
        mesh=mesh,
        scratch_types=[pltpu.VMEM((KCH, CH), jnp.int32),
                       pltpu.VMEM((bpw, H), jnp.float32),
                       pltpu.VMEM((bpw, 128), jnp.float32)]
        + [pltpu.SemaphoreType.DMA] * (KCH + 2),
    )
    def dispatch(x_hbm, g_hbm, i_hbm, o_hbm, og_hbm,
                 idx_v, rows_v, g_v, *sems):
        wid = lax.axis_index("subcore") * NC + lax.axis_index("core")
        base = wid * bpw
        pltpu.sync_copy(i_hbm.at[wid], idx_v)
        loads = [
            pltpu.async_copy(x_hbm.at[pl.ds(base + k * CH, CH)],
                             rows_v.at[pl.ds(k * CH, CH)], sems[k])
            for k in range(KCH)
        ]
        gload = pltpu.async_copy(g_hbm.at[pl.ds(base, bpw)], g_v, sems[KCH])
        stores = []
        for k in range(KCH):
            loads[k].wait()
            stores.append(pltpu.async_copy(
                rows_v.at[pl.ds(k * CH, CH)], o_hbm.at[idx_v.at[k]],
                sems[KCH + 1]))
        gload.wait()
        for k in range(KCH):
            stores.append(pltpu.async_copy(
                g_v.at[pl.ds(k * CH, CH)], og_hbm.at[idx_v.at[k]],
                sems[KCH + 1]))
        for s in stores:
            s.wait()

    @functools.partial(
        pl.kernel,
        out_type=jax.ShapeDtypeStruct((T, H), jnp.float32),
        mesh=mesh,
        scratch_types=[pltpu.VMEM((KCH, CH), jnp.int32),
                       pltpu.VMEM((bpw, H), jnp.float32)]
        + [pltpu.SemaphoreType.DMA] * (KCH + 1),
    )
    def combine(y_hbm, i_hbm, o_hbm, idx_v, rows_v, *sems):
        wid = lax.axis_index("subcore") * NC + lax.axis_index("core")
        base = wid * bpw
        pltpu.sync_copy(i_hbm.at[wid], idx_v)
        gathers = [
            pltpu.async_copy(y_hbm.at[idx_v.at[k]],
                             rows_v.at[pl.ds(k * CH, CH)], sems[k])
            for k in range(KCH)
        ]
        stores = []
        for k in range(KCH):
            gathers[k].wait()
            stores.append(pltpu.async_copy(
                rows_v.at[pl.ds(k * CH, CH)],
                o_hbm.at[pl.ds(base + k * CH, CH)], sems[KCH]))
        for s in stores:
            s.wait()

    return dispatch, combine



EPG = 1


def _ffn_body(meta_ref, x_ref, g_ref, w1_ref, w3_ref, w2_ref, y_ref):
    step = pl.program_id(0)

    for sub in range(EPG):
        e = step * EPG + sub
        off = meta_ref[e]
        cnt = meta_ref[E + e]
        w1 = w1_ref[sub]
        w3 = w3_ref[sub]
        w2 = w2_ref[sub]
        nch = (cnt + CHUNK - 1) // CHUNK

        def body(c, carry):
            start = pl.multiple_of(off + c * CHUNK, 8)
            xg = x_ref[pl.ds(start, CHUNK), :]
            a = jnp.dot(xg, w1, preferred_element_type=jnp.float32,
                        precision=lax.Precision.DEFAULT)
            b = jnp.dot(xg, w3, preferred_element_type=jnp.float32,
                        precision=lax.Precision.DEFAULT)
            g = g_ref[pl.ds(start, CHUNK), 0:1]
            h = a * (1.0 / (1.0 + jnp.exp(-a))) * b
            rid = lax.broadcasted_iota(jnp.int32, (CHUNK, I), 0) + c * CHUNK
            h = jnp.where(rid < cnt, h, 0.0)
            y_ref[pl.ds(start, CHUNK), :] = jnp.dot(
                h, w2, preferred_element_type=jnp.float32,
                precision=lax.Precision.DEFAULT) * g
            return carry

        lax.fori_loop(0, nch, body, 0)


def _ffn(meta_vec, x_sorted, gate_sorted, w1, w3, w2):
    return pl.pallas_call(
        _ffn_body,
        grid=(E // EPG,),
        in_specs=[
            pl.BlockSpec(memory_space=pltpu.SMEM),
            pl.BlockSpec((P, H), lambda e: (0, 0)),
            pl.BlockSpec((P, 128), lambda e: (0, 0)),
            pl.BlockSpec((EPG, H, I), lambda e: (e, 0, 0)),
            pl.BlockSpec((EPG, H, I), lambda e: (e, 0, 0)),
            pl.BlockSpec((EPG, I, H), lambda e: (e, 0, 0)),
        ],
        out_specs=pl.BlockSpec((P, H), lambda e: (0, 0)),
        out_shape=jax.ShapeDtypeStruct((P, H), jnp.float32),
        compiler_params=pltpu.CompilerParams(
            dimension_semantics=("arbitrary",),
            vmem_limit_bytes=64 * 1024 * 1024),
    )(meta_vec, x_sorted, gate_sorted, w1, w3, w2)



def kernel(hidden_states, router_logits, w1, w2, w3):
    dispatch, combine = _sc_kernels()
    dest, gate, meta = _router(router_logits)
    dest_row = dest.reshape(NW, 4, T // NW // 4)
    meta_vec = meta[0]
    x_sorted, gate_sorted = dispatch(hidden_states, gate, dest_row)
    y_sorted = _ffn(meta_vec, x_sorted, gate_sorted, w1, w3, w2)
    return combine(y_sorted, dest_row)

# --- scband reference (transcript-rebuilt; emitter-appended) ---
"""Pipeline reference for scband-fused-epmo-e-17136919511770 (READ-ONLY COPY).

The authoritative reference and input builder live on the scoring server;
editing this copy changes nothing except your own understanding.
"""

import jax, jax.numpy as jnp
import numpy as np

NUM_EXPERTS = 64
TOP_K = 1
HIDDEN = 768
INTER = 1024
TOKENS = 2048


def setup_inputs(seed: int = 0) -> dict:
    key = jax.random.key(seed)
    k1, k2, k3, k4, k5 = jax.random.split(key, 5)
    hidden_states = jax.random.normal(k1, (TOKENS, HIDDEN), dtype=jnp.float32)
    router_logits = jax.random.normal(k2, (TOKENS, NUM_EXPERTS), dtype=jnp.float32)
    w1 = jax.random.normal(k3, (NUM_EXPERTS, HIDDEN, INTER), dtype=jnp.float32) * 0.02
    w3 = jax.random.normal(k4, (NUM_EXPERTS, HIDDEN, INTER), dtype=jnp.float32) * 0.02
    w2 = jax.random.normal(k5, (NUM_EXPERTS, INTER, HIDDEN), dtype=jnp.float32) * 0.02
    return {"hidden_states": hidden_states, "router_logits": router_logits, "w1": w1, "w2": w2, "w3": w3}


def reference(hidden_states, router_logits, w1, w2, w3):
    # Router: softmax over all experts, then take top-k probs
    # (renormalize_topk_logits=False -> use raw softmax probs as gates)
    probs = jax.nn.softmax(router_logits.astype(jnp.float32), axis=-1)
    top_vals, top_ids = jax.lax.top_k(probs, TOP_K)  # [T, K]
    T = hidden_states.shape[0]
    out = jnp.zeros((T, w2.shape[2]), dtype=hidden_states.dtype)
    # Exact dispatch: group tokens by assigned expert, run SwiGLU FFN per expert,
    # scatter-add gated outputs back (mirrors fused_ep_moe semantics, no capacity drop).
    num_experts = w1.shape[0]

    def expert_body(e, acc):
        h = jax.nn.silu(hidden_states @ w1[e]) * (hidden_states @ w3[e])  # gate/up proj + SiLU (SwiGLU)
        ys = h @ w2[e]                                                     # down proj
        for kk in range(TOP_K):
            sel = top_ids[:, kk] == e
            gate = top_vals[:, kk][:, None]
            contrib = jnp.where(sel[:, None], (ys * gate).astype(acc.dtype), jnp.zeros_like(acc))
            acc = acc + contrib
        return acc

    out = jax.lax.fori_loop(0, num_experts, expert_body, out)
    return out

if __name__ == "__main__":
    import jax
    _d = setup_inputs()
    print(jax.jit(kernel)(*tuple(_d.values())))

</pallas_src>

<mosaic_0001>
#map = affine_map<(d0, d1) -> (0, 0)>
#map1 = affine_map<(d0, d1) -> (0, 0, 0)>
module attributes {stable_mosaic.version = 14 : i64} {
  func.func @combine(%arg0: i32, %arg1: i32, %arg2: memref<2560x768xf32, #tpu.memory_space<hbm>>, %arg3: memref<32x4x16xi32, #tpu.memory_space<hbm>>, %arg4: memref<2048x768xf32, #tpu.memory_space<hbm>>, %arg5: memref<4x16xi32, #tpu.memory_space<vmem>>, %arg6: memref<64x768xf32, #tpu.memory_space<vmem>>, %arg7: memref<!tpu.dma_semaphore, #tpu.memory_space<semaphore_mem>>, %arg8: memref<!tpu.dma_semaphore, #tpu.memory_space<semaphore_mem>>, %arg9: memref<!tpu.dma_semaphore, #tpu.memory_space<semaphore_mem>>, %arg10: memref<!tpu.dma_semaphore, #tpu.memory_space<semaphore_mem>>, %arg11: memref<!tpu.dma_semaphore, #tpu.memory_space<semaphore_mem>>) attributes {dimension_semantics = [#tpu.dimension_semantics<core_parallel>, #tpu.dimension_semantics<subcore_parallel>], iteration_bounds = array<i64: 2, 16>, scalar_prefetch = 0 : i64, scratch_operands = 7 : i64, tpu.core_type = #tpu.core_type<sc_vector_subcore>, window_params = [{transform_indices = #map}, {transform_indices = #map1}, {transform_indices = #map}]} {
    %mul3A = arith.constant 2 : i32
    %mul3A_0 = arith.muli %arg1, %mul3A : i32
    %add3A = arith.addi %mul3A_0, %arg0 : i32
    %mul3A_1 = arith.constant 64 : i32
    %mul3A_2 = arith.muli %add3A, %mul3A_1 : i32
    "tpu.region"() ({
      %run_scoped3A = tpu.sem_alloc : memref<!tpu.dma_semaphore, #tpu.memory_space<semaphore_mem>>
      %dma_start3A_169 = arith.constant 0 : i32
      %dma_start3A_170 = arith.constant 0 : i32
      %dma_start3A_171 = tpu.memref_slice %arg3[%add3A, %dma_start3A_169, %dma_start3A_170] : memref<32x4x16xi32, #tpu.memory_space<hbm>> -> memref<1x4x16xi32, #tpu.memory_space<hbm>>
      %dma_start3A_172 = tpu.memref_squeeze %dma_start3A_171 : memref<1x4x16xi32, #tpu.memory_space<hbm>> -> memref<4x16xi32, #tpu.memory_space<hbm>>
      %dma_start3A_173 = arith.constant 0 : i32
      %dma_start3A_174 = arith.constant 0 : i32
      %dma_start3A_175 = tpu.memref_slice %arg3[%add3A, %dma_start3A_173, %dma_start3A_174] : memref<32x4x16xi32, #tpu.memory_space<hbm>> -> memref<1x4x16xi32, #tpu.memory_space<hbm>>
      %dma_start3A_176 = tpu.memref_squeeze %dma_start3A_175 : memref<1x4x16xi32, #tpu.memory_space<hbm>> -> memref<4x16xi32, #tpu.memory_space<hbm>>
      tpu.enqueue_dma source(%dma_start3A_176 : memref<4x16xi32, #tpu.memory_space<hbm>>) target(%arg5 : memref<4x16xi32, #tpu.memory_space<vmem>>) target_semaphore(%run_scoped3A : memref<!tpu.dma_semaphore, #tpu.memory_space<semaphore_mem>>)
      %dma_wait3A_177 = arith.constant 0 : i32
      %dma_wait3A_178 = arith.constant 0 : i32
      %dma_wait3A_179 = tpu.memref_slice %arg3[%add3A, %dma_wait3A_177, %dma_wait3A_178] : memref<32x4x16xi32, #tpu.memory_space<hbm>> -> memref<1x4x16xi32, #tpu.memory_space<hbm>>
      %dma_wait3A_180 = tpu.memref_squeeze %dma_wait3A_179 : memref<1x4x16xi32, #tpu.memory_space<hbm>> -> memref<4x16xi32, #tpu.memory_space<hbm>>
      %dma_wait3A_181 = arith.constant 0 : i32
      %dma_wait3A_182 = arith.constant 0 : i32
      %dma_wait3A_183 = tpu.memref_slice %arg3[%add3A, %dma_wait3A_181, %dma_wait3A_182] : memref<32x4x16xi32, #tpu.memory_space<hbm>> -> memref<1x4x16xi32, #tpu.memory_space<hbm>>
      %dma_wait3A_184 = tpu.memref_squeeze %dma_wait3A_183 : memref<1x4x16xi32, #tpu.memory_space<hbm>> -> memref<4x16xi32, #tpu.memory_space<hbm>>
      tpu.wait_dma2 semaphore(%run_scoped3A : memref<!tpu.dma_semaphore, #tpu.memory_space<semaphore_mem>>) src(%dma_wait3A_184 : memref<4x16xi32, #tpu.memory_space<hbm>>) dst(%arg5 : memref<4x16xi32, #tpu.memory_space<vmem>>)
      tpu.yield
    }) : () -> ()
    %dma_start3A = arith.constant 0 : i32
    %dma_start3A_3 = arith.constant 0 : i32
    %dma_start3A_4 = arith.constant 0 : i32
    %dma_start3A_5 = tpu.memref_slice %arg6[%dma_start3A_3, %dma_start3A_4] : memref<64x768xf32, #tpu.memory_space<vmem>> -> memref<16x768xf32, #tpu.memory_space<vmem>>
    %dma_start3A_6 = arith.constant 0 : i32
    %dma_start3A_7 = tpu.memref_slice %arg5[%dma_start3A, %dma_start3A_6] : memref<4x16xi32, #tpu.memory_space<vmem>> -> memref<1x16xi32, #tpu.memory_space<vmem>>
    %dma_start3A_8 = tpu.memref_squeeze %dma_start3A_7 : memref<1x16xi32, #tpu.memory_space<vmem>> -> memref<16xi32, #tpu.memory_space<vmem>>
    %dma_start3A_9 = arith.constant 0 : i32
    %dma_start3A_10 = arith.constant 0 : i32
    %dma_start3A_11 = tpu.memref_slice %arg2[%dma_start3A_9, %dma_start3A_10] : memref<2560x768xf32, #tpu.memory_space<hbm>> -> memref<2560x768xf32, #tpu.memory_space<hbm>>
    tpu.enqueue_indirect_dma source(%dma_start3A_11 : memref<2560x768xf32, #tpu.memory_space<hbm>>) target(%dma_start3A_5 : memref<16x768xf32, #tpu.memory_space<vmem>>) offsets(%dma_start3A_8 : memref<16xi32, #tpu.memory_space<vmem>>) semaphore(%arg7 : memref<!tpu.dma_semaphore, #tpu.memory_space<semaphore_mem>>)
    %dma_start3A_12 = arith.constant 1 : i32
    %dma_start3A_13 = arith.constant 16 : i32
    %dma_start3A_14 = arith.constant 0 : i32
    %dma_start3A_15 = tpu.memref_slice %arg6[%dma_start3A_13, %dma_start3A_14] : memref<64x768xf32, #tpu.memory_space<vmem>> -> memref<16x768xf32, #tpu.memory_space<vmem>>
    %dma_start3A_16 = arith.constant 0 : i32
    %dma_start3A_17 = tpu.memref_slice %arg5[%dma_start3A_12, %dma_start3A_16] : memref<4x16xi32, #tpu.memory_space<vmem>> -> memref<1x16xi32, #tpu.memory_space<vmem>>
    %dma_start3A_18 = tpu.memref_squeeze %dma_start3A_17 : memref<1x16xi32, #tpu.memory_space<vmem>> -> memref<16xi32, #tpu.memory_space<vmem>>
    %dma_start3A_19 = arith.constant 0 : i32
    %dma_start3A_20 = arith.constant 0 : i32
    %dma_start3A_21 = tpu.memref_slice %arg2[%dma_start3A_19, %dma_start3A_20] : memref<2560x768xf32, #tpu.memory_space<hbm>> -> memref<2560x768xf32, #tpu.memory_space<hbm>>
    tpu.enqueue_indirect_dma source(%dma_start3A_21 : memref<2560x768xf32, #tpu.memory_space<hbm>>) target(%dma_start3A_15 : memref<16x768xf32, #tpu.memory_space<vmem>>) offsets(%dma_start3A_18 : memref<16xi32, #tpu.memory_space<vmem>>) semaphore(%arg8 : memref<!tpu.dma_semaphore, #tpu.memory_space<semaphore_mem>>)
    %dma_start3A_22 = arith.constant 2 : i32
    %dma_start3A_23 = arith.constant 32 : i32
    %dma_start3A_24 = arith.constant 0 : i32
    %dma_start3A_25 = tpu.memref_slice %arg6[%dma_start3A_23, %dma_start3A_24] : memref<64x768xf32, #tpu.memory_space<vmem>> -> memref<16x768xf32, #tpu.memory_space<vmem>>
    %dma_start3A_26 = arith.constant 0 : i32
    %dma_start3A_27 = tpu.memref_slice %arg5[%dma_start3A_22, %dma_start3A_26] : memref<4x16xi32, #tpu.memory_space<vmem>> -> memref<1x16xi32, #tpu.memory_space<vmem>>
    %dma_start3A_28 = tpu.memref_squeeze %dma_start3A_27 : memref<1x16xi32, #tpu.memory_space<vmem>> -> memref<16xi32, #tpu.memory_space<vmem>>
    %dma_start3A_29 = arith.constant 0 : i32
    %dma_start3A_30 = arith.constant 0 : i32
    %dma_start3A_31 = tpu.memref_slice %arg2[%dma_start3A_29, %dma_start3A_30] : memref<2560x768xf32, #tpu.memory_space<hbm>> -> memref<2560x768xf32, #tpu.memory_space<hbm>>
    tpu.enqueue_indirect_dma source(%dma_start3A_31 : memref<2560x768xf32, #tpu.memory_space<hbm>>) target(%dma_start3A_25 : memref<16x768xf32, #tpu.memory_space<vmem>>) offsets(%dma_start3A_28 : memref<16xi32, #tpu.memory_space<vmem>>) semaphore(%arg9 : memref<!tpu.dma_semaphore, #tpu.memory_space<semaphore_mem>>)
    %dma_start3A_32 = arith.constant 3 : i32
    %dma_start3A_33 = arith.constant 48 : i32
    %dma_start3A_34 = arith.constant 0 : i32
    %dma_start3A_35 = tpu.memref_slice %arg6[%dma_start3A_33, %dma_start3A_34] : memref<64x768xf32, #tpu.memory_space<vmem>> -> memref<16x768xf32, #tpu.memory_space<vmem>>
    %dma_start3A_36 = arith.constant 0 : i32
    %dma_start3A_37 = tpu.memref_slice %arg5[%dma_start3A_32, %dma_start3A_36] : memref<4x16xi32, #tpu.memory_space<vmem>> -> memref<1x16xi32, #tpu.memory_space<vmem>>
    %dma_start3A_38 = tpu.memref_squeeze %dma_start3A_37 : memref<1x16xi32, #tpu.memory_space<vmem>> -> memref<16xi32, #tpu.memory_space<vmem>>
    %dma_start3A_39 = arith.constant 0 : i32
    %dma_start3A_40 = arith.constant 0 : i32
    %dma_start3A_41 = tpu.memref_slice %arg2[%dma_start3A_39, %dma_start3A_40] : memref<2560x768xf32, #tpu.memory_space<hbm>> -> memref<2560x768xf32, #tpu.memory_space<hbm>>
    tpu.enqueue_indirect_dma source(%dma_start3A_41 : memref<2560x768xf32, #tpu.memory_space<hbm>>) target(%dma_start3A_35 : memref<16x768xf32, #tpu.memory_space<vmem>>) offsets(%dma_start3A_38 : memref<16xi32, #tpu.memory_space<vmem>>) semaphore(%arg10 : memref<!tpu.dma_semaphore, #tpu.memory_space<semaphore_mem>>)
    %dma_wait3A = arith.constant 0 : i32
    %dma_wait3A_42 = arith.constant 0 : i32
    %dma_wait3A_43 = arith.constant 0 : i32
    %dma_wait3A_44 = tpu.memref_slice %arg6[%dma_wait3A_42, %dma_wait3A_43] : memref<64x768xf32, #tpu.memory_space<vmem>> -> memref<16x768xf32, #tpu.memory_space<vmem>>
    %dma_wait3A_45 = arith.constant 0 : i32
    %dma_wait3A_46 = tpu.memref_slice %arg5[%dma_wait3A, %dma_wait3A_45] : memref<4x16xi32, #tpu.memory_space<vmem>> -> memref<1x16xi32, #tpu.memory_space<vmem>>
    %dma_wait3A_47 = tpu.memref_squeeze %dma_wait3A_46 : memref<1x16xi32, #tpu.memory_space<vmem>> -> memref<16xi32, #tpu.memory_space<vmem>>
    %dma_wait3A_48 = arith.constant 0 : i32
    %dma_wait3A_49 = arith.constant 0 : i32
    %dma_wait3A_50 = tpu.memref_slice %arg2[%dma_wait3A_48, %dma_wait3A_49] : memref<2560x768xf32, #tpu.memory_space<hbm>> -> memref<2560x768xf32, #tpu.memory_space<hbm>>
    tpu.wait_indirect_dma semaphore(%arg7 : memref<!tpu.dma_semaphore, #tpu.memory_space<semaphore_mem>>) src(%dma_wait3A_50 : memref<2560x768xf32, #tpu.memory_space<hbm>>) dst(%dma_wait3A_44 : memref<16x768xf32, #tpu.memory_space<vmem>>)
    %add3A_51 = arith.constant 0 : i32
    %add3A_52 = arith.addi %mul3A_2, %add3A_51 : i32
    %dma_start3A_53 = arith.constant 0 : i32
    %dma_start3A_54 = arith.constant 0 : i32
    %dma_start3A_55 = tpu.memref_slice %arg6[%dma_start3A_53, %dma_start3A_54] : memref<64x768xf32, #tpu.memory_space<vmem>> -> memref<16x768xf32, #tpu.memory_space<vmem>>
    %dma_start3A_56 = arith.constant 0 : i32
    %dma_start3A_57 = tpu.memref_slice %arg4[%add3A_52, %dma_start3A_56] : memref<2048x768xf32, #tpu.memory_space<hbm>> -> memref<16x768xf32, #tpu.memory_space<hbm>>
    %dma_start3A_58 = arith.constant 0 : i32
    %dma_start3A_59 = tpu.memref_slice %arg4[%add3A_52, %dma_start3A_58] : memref<2048x768xf32, #tpu.memory_space<hbm>> -> memref<16x768xf32, #tpu.memory_space<hbm>>
    %dma_start3A_60 = arith.constant 0 : i32
    %dma_start3A_61 = arith.constant 0 : i32
    %dma_start3A_62 = tpu.memref_slice %arg6[%dma_start3A_60, %dma_start3A_61] : memref<64x768xf32, #tpu.memory_space<vmem>> -> memref<16x768xf32, #tpu.memory_space<vmem>>
    tpu.enqueue_dma source(%dma_start3A_62 : memref<16x768xf32, #tpu.memory_space<vmem>>) target(%dma_start3A_59 : memref<16x768xf32, #tpu.memory_space<hbm>>) target_semaphore(%arg11 : memref<!tpu.dma_semaphore, #tpu.memory_space<semaphore_mem>>)
    %dma_wait3A_63 = arith.constant 1 : i32
    %dma_wait3A_64 = arith.constant 16 : i32
    %dma_wait3A_65 = arith.constant 0 : i32
    %dma_wait3A_66 = tpu.memref_slice %arg6[%dma_wait3A_64, %dma_wait3A_65] : memref<64x768xf32, #tpu.memory_space<vmem>> -> memref<16x768xf32, #tpu.memory_space<vmem>>
    %dma_wait3A_67 = arith.constant 0 : i32
    %dma_wait3A_68 = tpu.memref_slice %arg5[%dma_wait3A_63, %dma_wait3A_67] : memref<4x16xi32, #tpu.memory_space<vmem>> -> memref<1x16xi32, #tpu.memory_space<vmem>>
    %dma_wait3A_69 = tpu.memref_squeeze %dma_wait3A_68 : memref<1x16xi32, #tpu.memory_space<vmem>> -> memref<16xi32, #tpu.memory_space<vmem>>
    %dma_wait3A_70 = arith.constant 0 : i32
    %dma_wait3A_71 = arith.constant 0 : i32
    %dma_wait3A_72 = tpu.memref_slice %arg2[%dma_wait3A_70, %dma_wait3A_71] : memref<2560x768xf32, #tpu.memory_space<hbm>> -> memref<2560x768xf32, #tpu.memory_space<hbm>>
    tpu.wait_indirect_dma semaphore(%arg8 : memref<!tpu.dma_semaphore, #tpu.memory_space<semaphore_mem>>) src(%dma_wait3A_72 : memref<2560x768xf32, #tpu.memory_space<hbm>>) dst(%dma_wait3A_66 : memref<16x768xf32, #tpu.memory_space<vmem>>)
    %add3A_73 = arith.constant 16 : i32
    %add3A_74 = arith.addi %mul3A_2, %add3A_73 : i32
    %dma_start3A_75 = arith.constant 16 : i32
    %dma_start3A_76 = arith.constant 0 : i32
    %dma_start3A_77 = tpu.memref_slice %arg6[%dma_start3A_75, %dma_start3A_76] : memref<64x768xf32, #tpu.memory_space<vmem>> -> memref<16x768xf32, #tpu.memory_space<vmem>>
    %dma_start3A_78 = arith.constant 0 : i32
    %dma_start3A_79 = tpu.memref_slice %arg4[%add3A_74, %dma_start3A_78] : memref<2048x768xf32, #tpu.memory_space<hbm>> -> memref<16x768xf32, #tpu.memory_space<hbm>>
    %dma_start3A_80 = arith.constant 0 : i32
    %dma_start3A_81 = tpu.memref_slice %arg4[%add3A_74, %dma_start3A_80] : memref<2048x768xf32, #tpu.memory_space<hbm>> -> memref<16x768xf32, #tpu.memory_space<hbm>>
    %dma_start3A_82 = arith.constant 16 : i32
    %dma_start3A_83 = arith.constant 0 : i32
    %dma_start3A_84 = tpu.memref_slice %arg6[%dma_start3A_82, %dma_start3A_83] : memref<64x768xf32, #tpu.memory_space<vmem>> -> memref<16x768xf32, #tpu.memory_space<vmem>>
    tpu.enqueue_dma source(%dma_start3A_84 : memref<16x768xf32, #tpu.memory_space<vmem>>) target(%dma_start3A_81 : memref<16x768xf32, #tpu.memory_space<hbm>>) target_semaphore(%arg11 : memref<!tpu.dma_semaphore, #tpu.memory_space<semaphore_mem>>)
    %dma_wait3A_85 = arith.constant 2 : i32
    %dma_wait3A_86 = arith.constant 32 : i32
    %dma_wait3A_87 = arith.constant 0 : i32
    %dma_wait3A_88 = tpu.memref_slice %arg6[%dma_wait3A_86, %dma_wait3A_87] : memref<64x768xf32, #tpu.memory_space<vmem>> -> memref<16x768xf32, #tpu.memory_space<vmem>>
    %dma_wait3A_89 = arith.constant 0 : i32
    %dma_wait3A_90 = tpu.memref_slice %arg5[%dma_wait3A_85, %dma_wait3A_89] : memref<4x16xi32, #tpu.memory_space<vmem>> -> memref<1x16xi32, #tpu.memory_space<vmem>>
    %dma_wait3A_91 = tpu.memref_squeeze %dma_wait3A_90 : memref<1x16xi32, #tpu.memory_space<vmem>> -> memref<16xi32, #tpu.memory_space<vmem>>
    %dma_wait3A_92 = arith.constant 0 : i32
    %dma_wait3A_93 = arith.constant 0 : i32
    %dma_wait3A_94 = tpu.memref_slice %arg2[%dma_wait3A_92, %dma_wait3A_93] : memref<2560x768xf32, #tpu.memory_space<hbm>> -> memref<2560x768xf32, #tpu.memory_space<hbm>>
    tpu.wait_indirect_dma semaphore(%arg9 : memref<!tpu.dma_semaphore, #tpu.memory_space<semaphore_mem>>) src(%dma_wait3A_94 : memref<2560x768xf32, #tpu.memory_space<hbm>>) dst(%dma_wait3A_88 : memref<16x768xf32, #tpu.memory_space<vmem>>)
    %add3A_95 = arith.constant 32 : i32
    %add3A_96 = arith.addi %mul3A_2, %add3A_95 : i32
    %dma_start3A_97 = arith.constant 32 : i32
    %dma_start3A_98 = arith.constant 0 : i32
    %dma_start3A_99 = tpu.memref_slice %arg6[%dma_start3A_97, %dma_start3A_98] : memref<64x768xf32, #tpu.memory_space<vmem>> -> memref<16x768xf32, #tpu.memory_space<vmem>>
    %dma_start3A_100 = arith.constant 0 : i32
    %dma_start3A_101 = tpu.memref_slice %arg4[%add3A_96, %dma_start3A_100] : memref<2048x768xf32, #tpu.memory_space<hbm>> -> memref<16x768xf32, #tpu.memory_space<hbm>>
    %dma_start3A_102 = arith.constant 0 : i32
    %dma_start3A_103 = tpu.memref_slice %arg4[%add3A_96, %dma_start3A_102] : memref<2048x768xf32, #tpu.memory_space<hbm>> -> memref<16x768xf32, #tpu.memory_space<hbm>>
    %dma_start3A_104 = arith.constant 32 : i32
    %dma_start3A_105 = arith.constant 0 : i32
    %dma_start3A_106 = tpu.memref_slice %arg6[%dma_start3A_104, %dma_start3A_105] : memref<64x768xf32, #tpu.memory_space<vmem>> -> memref<16x768xf32, #tpu.memory_space<vmem>>
    tpu.enqueue_dma source(%dma_start3A_106 : memref<16x768xf32, #tpu.memory_space<vmem>>) target(%dma_start3A_103 : memref<16x768xf32, #tpu.memory_space<hbm>>) target_semaphore(%arg11 : memref<!tpu.dma_semaphore, #tpu.memory_space<semaphore_mem>>)
    %dma_wait3A_107 = arith.constant 3 : i32
    %dma_wait3A_108 = arith.constant 48 : i32
    %dma_wait3A_109 = arith.constant 0 : i32
    %dma_wait3A_110 = tpu.memref_slice %arg6[%dma_wait3A_108, %dma_wait3A_109] : memref<64x768xf32, #tpu.memory_space<vmem>> -> memref<16x768xf32, #tpu.memory_space<vmem>>
    %dma_wait3A_111 = arith.constant 0 : i32
    %dma_wait3A_112 = tpu.memref_slice %arg5[%dma_wait3A_107, %dma_wait3A_111] : memref<4x16xi32, #tpu.memory_space<vmem>> -> memref<1x16xi32, #tpu.memory_space<vmem>>
    %dma_wait3A_113 = tpu.memref_squeeze %dma_wait3A_112 : memref<1x16xi32, #tpu.memory_space<vmem>> -> memref<16xi32, #tpu.memory_space<vmem>>
    %dma_wait3A_114 = arith.constant 0 : i32
    %dma_wait3A_115 = arith.constant 0 : i32
    %dma_wait3A_116 = tpu.memref_slice %arg2[%dma_wait3A_114, %dma_wait3A_115] : memref<2560x768xf32, #tpu.memory_space<hbm>> -> memref<2560x768xf32, #tpu.memory_space<hbm>>
    tpu.wait_indirect_dma semaphore(%arg10 : memref<!tpu.dma_semaphore, #tpu.memory_space<semaphore_mem>>) src(%dma_wait3A_116 : memref<2560x768xf32, #tpu.memory_space<hbm>>) dst(%dma_wait3A_110 : memref<16x768xf32, #tpu.memory_space<vmem>>)
    %add3A_117 = arith.constant 48 : i32
    %add3A_118 = arith.addi %mul3A_2, %add3A_117 : i32
    %dma_start3A_119 = arith.constant 48 : i32
    %dma_start3A_120 = arith.constant 0 : i32
    %dma_start3A_121 = tpu.memref_slice %arg6[%dma_start3A_119, %dma_start3A_120] : memref<64x768xf32, #tpu.memory_space<vmem>> -> memref<16x768xf32, #tpu.memory_space<vmem>>
    %dma_start3A_122 = arith.constant 0 : i32
    %dma_start3A_123 = tpu.memref_slice %arg4[%add3A_118, %dma_start3A_122] : memref<2048x768xf32, #tpu.memory_space<hbm>> -> memref<16x768xf32, #tpu.memory_space<hbm>>
    %dma_start3A_124 = arith.constant 0 : i32
    %dma_start3A_125 = tpu.memref_slice %arg4[%add3A_118, %dma_start3A_124] : memref<2048x768xf32, #tpu.memory_space<hbm>> -> memref<16x768xf32, #tpu.memory_space<hbm>>
    %dma_start3A_126 = arith.constant 48 : i32
    %dma_start3A_127 = arith.constant 0 : i32
    %dma_start3A_128 = tpu.memref_slice %arg6[%dma_start3A_126, %dma_start3A_127] : memref<64x768xf32, #tpu.memory_space<vmem>> -> memref<16x768xf32, #tpu.memory_space<vmem>>
    tpu.enqueue_dma source(%dma_start3A_128 : memref<16x768xf32, #tpu.memory_space<vmem>>) target(%dma_start3A_125 : memref<16x768xf32, #tpu.memory_space<hbm>>) target_semaphore(%arg11 : memref<!tpu.dma_semaphore, #tpu.memory_space<semaphore_mem>>)
    %dma_wait3A_129 = arith.constant 0 : i32
    %dma_wait3A_130 = arith.constant 0 : i32
    %dma_wait3A_131 = tpu.memref_slice %arg6[%dma_wait3A_129, %dma_wait3A_130] : memref<64x768xf32, #tpu.memory_space<vmem>> -> memref<16x768xf32, #tpu.memory_space<vmem>>
    %dma_wait3A_132 = arith.constant 0 : i32
    %dma_wait3A_133 = tpu.memref_slice %arg4[%add3A_52, %dma_wait3A_132] : memref<2048x768xf32, #tpu.memory_space<hbm>> -> memref<16x768xf32, #tpu.memory_space<hbm>>
    %dma_wait3A_134 = arith.constant 0 : i32
    %dma_wait3A_135 = tpu.memref_slice %arg4[%add3A_52, %dma_wait3A_134] : memref<2048x768xf32, #tpu.memory_space<hbm>> -> memref<16x768xf32, #tpu.memory_space<hbm>>
    %dma_wait3A_136 = arith.constant 0 : i32
    %dma_wait3A_137 = arith.constant 0 : i32
    %dma_wait3A_138 = tpu.memref_slice %arg6[%dma_wait3A_136, %dma_wait3A_137] : memref<64x768xf32, #tpu.memory_space<vmem>> -> memref<16x768xf32, #tpu.memory_space<vmem>>
    tpu.wait_dma2 semaphore(%arg11 : memref<!tpu.dma_semaphore, #tpu.memory_space<semaphore_mem>>) src(%dma_wait3A_138 : memref<16x768xf32, #tpu.memory_space<vmem>>) dst(%dma_wait3A_135 : memref<16x768xf32, #tpu.memory_space<hbm>>)
    %dma_wait3A_139 = arith.constant 16 : i32
    %dma_wait3A_140 = arith.constant 0 : i32
    %dma_wait3A_141 = tpu.memref_slice %arg6[%dma_wait3A_139, %dma_wait3A_140] : memref<64x768xf32, #tpu.memory_space<vmem>> -> memref<16x768xf32, #tpu.memory_space<vmem>>
    %dma_wait3A_142 = arith.constant 0 : i32
    %dma_wait3A_143 = tpu.memref_slice %arg4[%add3A_74, %dma_wait3A_142] : memref<2048x768xf32, #tpu.memory_space<hbm>> -> memref<16x768xf32, #tpu.memory_space<hbm>>
    %dma_wait3A_144 = arith.constant 0 : i32
    %dma_wait3A_145 = tpu.memref_slice %arg4[%add3A_74, %dma_wait3A_144] : memref<2048x768xf32, #tpu.memory_space<hbm>> -> memref<16x768xf32, #tpu.memory_space<hbm>>
    %dma_wait3A_146 = arith.constant 16 : i32
    %dma_wait3A_147 = arith.constant 0 : i32
    %dma_wait3A_148 = tpu.memref_slice %arg6[%dma_wait3A_146, %dma_wait3A_147] : memref<64x768xf32, #tpu.memory_space<vmem>> -> memref<16x768xf32, #tpu.memory_space<vmem>>
    tpu.wait_dma2 semaphore(%arg11 : memref<!tpu.dma_semaphore, #tpu.memory_space<semaphore_mem>>) src(%dma_wait3A_148 : memref<16x768xf32, #tpu.memory_space<vmem>>) dst(%dma_wait3A_145 : memref<16x768xf32, #tpu.memory_space<hbm>>)
    %dma_wait3A_149 = arith.constant 32 : i32
    %dma_wait3A_150 = arith.constant 0 : i32
    %dma_wait3A_151 = tpu.memref_slice %arg6[%dma_wait3A_149, %dma_wait3A_150] : memref<64x768xf32, #tpu.memory_space<vmem>> -> memref<16x768xf32, #tpu.memory_space<vmem>>
    %dma_wait3A_152 = arith.constant 0 : i32
    %dma_wait3A_153 = tpu.memref_slice %arg4[%add3A_96, %dma_wait3A_152] : memref<2048x768xf32, #tpu.memory_space<hbm>> -> memref<16x768xf32, #tpu.memory_space<hbm>>
    %dma_wait3A_154 = arith.constant 0 : i32
    %dma_wait3A_155 = tpu.memref_slice %arg4[%add3A_96, %dma_wait3A_154] : memref<2048x768xf32, #tpu.memory_space<hbm>> -> memref<16x768xf32, #tpu.memory_space<hbm>>
    %dma_wait3A_156 = arith.constant 32 : i32
    %dma_wait3A_157 = arith.constant 0 : i32
    %dma_wait3A_158 = tpu.memref_slice %arg6[%dma_wait3A_156, %dma_wait3A_157] : memref<64x768xf32, #tpu.memory_space<vmem>> -> memref<16x768xf32, #tpu.memory_space<vmem>>
    tpu.wait_dma2 semaphore(%arg11 : memref<!tpu.dma_semaphore, #tpu.memory_space<semaphore_mem>>) src(%dma_wait3A_158 : memref<16x768xf32, #tpu.memory_space<vmem>>) dst(%dma_wait3A_155 : memref<16x768xf32, #tpu.memory_space<hbm>>)
    %dma_wait3A_159 = arith.constant 48 : i32
    %dma_wait3A_160 = arith.constant 0 : i32
    %dma_wait3A_161 = tpu.memref_slice %arg6[%dma_wait3A_159, %dma_wait3A_160] : memref<64x768xf32, #tpu.memory_space<vmem>> -> memref<16x768xf32, #tpu.memory_space<vmem>>
    %dma_wait3A_162 = arith.constant 0 : i32
    %dma_wait3A_163 = tpu.memref_slice %arg4[%add3A_118, %dma_wait3A_162] : memref<2048x768xf32, #tpu.memory_space<hbm>> -> memref<16x768xf32, #tpu.memory_space<hbm>>
    %dma_wait3A_164 = arith.constant 0 : i32
    %dma_wait3A_165 = tpu.memref_slice %arg4[%add3A_118, %dma_wait3A_164] : memref<2048x768xf32, #tpu.memory_space<hbm>> -> memref<16x768xf32, #tpu.memory_space<hbm>>
    %dma_wait3A_166 = arith.constant 48 : i32
    %dma_wait3A_167 = arith.constant 0 : i32
    %dma_wait3A_168 = tpu.memref_slice %arg6[%dma_wait3A_166, %dma_wait3A_167] : memref<64x768xf32, #tpu.memory_space<vmem>> -> memref<16x768xf32, #tpu.memory_space<vmem>>
    tpu.wait_dma2 semaphore(%arg11 : memref<!tpu.dma_semaphore, #tpu.memory_space<semaphore_mem>>) src(%dma_wait3A_168 : memref<16x768xf32, #tpu.memory_space<vmem>>) dst(%dma_wait3A_165 : memref<16x768xf32, #tpu.memory_space<hbm>>)
    return
  }
}

#map = affine_map<(d0, d1) -> (0, 0)>
#map1 = affine_map<(d0, d1) -> (0, 0, 0)>
module attributes {stable_mosaic.version = 14 : i64} {
  func.func @dispatch(%arg0: i32, %arg1: i32, %arg2: memref<2048x768xf32, #tpu.memory_space<hbm>>, %arg3: memref<2048x128xf32, #tpu.memory_space<hbm>>, %arg4: memref<32x4x16xi32, #tpu.memory_space<hbm>>, %arg5: memref<2560x768xf32, #tpu.memory_space<hbm>>, %arg6: memref<2560x128xf32, #tpu.memory_space<hbm>>, %arg7: memref<4x16xi32, #tpu.memory_space<vmem>>, %arg8: memref<64x768xf32, #tpu.memory_space<vmem>>, %arg9: memref<64x128xf32, #tpu.memory_space<vmem>>, %arg10: memref<!tpu.dma_semaphore, #tpu.memory_space<semaphore_mem>>, %arg11: memref<!tpu.dma_semaphore, #tpu.memory_space<semaphore_mem>>, %arg12: memref<!tpu.dma_semaphore, #tpu.memory_space<semaphore_mem>>, %arg13: memref<!tpu.dma_semaphore, #tpu.memory_space<semaphore_mem>>, %arg14: memref<!tpu.dma_semaphore, #tpu.memory_space<semaphore_mem>>, %arg15: memref<!tpu.dma_semaphore, #tpu.memory_space<semaphore_mem>>) attributes {dimension_semantics = [#tpu.dimension_semantics<core_parallel>, #tpu.dimension_semantics<subcore_parallel>], iteration_bounds = array<i64: 2, 16>, scalar_prefetch = 0 : i64, scratch_operands = 9 : i64, tpu.core_type = #tpu.core_type<sc_vector_subcore>, window_params = [{transform_indices = #map}, {transform_indices = #map}, {transform_indices = #map1}, {transform_indices = #map}, {transform_indices = #map}]} {
    %mul3A = arith.constant 2 : i32
    %mul3A_0 = arith.muli %arg1, %mul3A : i32
    %add3A = arith.addi %mul3A_0, %arg0 : i32
    %mul3A_1 = arith.constant 64 : i32
    %mul3A_2 = arith.muli %add3A, %mul3A_1 : i32
    "tpu.region"() ({
      %run_scoped3A = tpu.sem_alloc : memref<!tpu.dma_semaphore, #tpu.memory_space<semaphore_mem>>
      %dma_start3A_257 = arith.constant 0 : i32
      %dma_start3A_258 = arith.constant 0 : i32
      %dma_start3A_259 = tpu.memref_slice %arg4[%add3A, %dma_start3A_257, %dma_start3A_258] : memref<32x4x16xi32, #tpu.memory_space<hbm>> -> memref<1x4x16xi32, #tpu.memory_space<hbm>>
      %dma_start3A_260 = tpu.memref_squeeze %dma_start3A_259 : memref<1x4x16xi32, #tpu.memory_space<hbm>> -> memref<4x16xi32, #tpu.memory_space<hbm>>
      %dma_start3A_261 = arith.constant 0 : i32
      %dma_start3A_262 = arith.constant 0 : i32
      %dma_start3A_263 = tpu.memref_slice %arg4[%add3A, %dma_start3A_261, %dma_start3A_262] : memref<32x4x16xi32, #tpu.memory_space<hbm>> -> memref<1x4x16xi32, #tpu.memory_space<hbm>>
      %dma_start3A_264 = tpu.memref_squeeze %dma_start3A_263 : memref<1x4x16xi32, #tpu.memory_space<hbm>> -> memref<4x16xi32, #tpu.memory_space<hbm>>
      tpu.enqueue_dma source(%dma_start3A_264 : memref<4x16xi32, #tpu.memory_space<hbm>>) target(%arg7 : memref<4x16xi32, #tpu.memory_space<vmem>>) target_semaphore(%run_scoped3A : memref<!tpu.dma_semaphore, #tpu.memory_space<semaphore_mem>>)
      %dma_wait3A_265 = arith.constant 0 : i32
      %dma_wait3A_266 = arith.constant 0 : i32
      %dma_wait3A_267 = tpu.memref_slice %arg4[%add3A, %dma_wait3A_265, %dma_wait3A_266] : memref<32x4x16xi32, #tpu.memory_space<hbm>> -> memref<1x4x16xi32, #tpu.memory_space<hbm>>
      %dma_wait3A_268 = tpu.memref_squeeze %dma_wait3A_267 : memref<1x4x16xi32, #tpu.memory_space<hbm>> -> memref<4x16xi32, #tpu.memory_space<hbm>>
      %dma_wait3A_269 = arith.constant 0 : i32
      %dma_wait3A_270 = arith.constant 0 : i32
      %dma_wait3A_271 = tpu.memref_slice %arg4[%add3A, %dma_wait3A_269, %dma_wait3A_270] : memref<32x4x16xi32, #tpu.memory_space<hbm>> -> memref<1x4x16xi32, #tpu.memory_space<hbm>>
      %dma_wait3A_272 = tpu.memref_squeeze %dma_wait3A_271 : memref<1x4x16xi32, #tpu.memory_space<hbm>> -> memref<4x16xi32, #tpu.memory_space<hbm>>
      tpu.wait_dma2 semaphore(%run_scoped3A : memref<!tpu.dma_semaphore, #tpu.memory_space<semaphore_mem>>) src(%dma_wait3A_272 : memref<4x16xi32, #tpu.memory_space<hbm>>) dst(%arg7 : memref<4x16xi32, #tpu.memory_space<vmem>>)
      tpu.yield
    }) : () -> ()
    %add3A_3 = arith.constant 0 : i32
    %add3A_4 = arith.addi %mul3A_2, %add3A_3 : i32
    %dma_start3A = arith.constant 0 : i32
    %dma_start3A_5 = arith.constant 0 : i32
    %dma_start3A_6 = tpu.memref_slice %arg8[%dma_start3A, %dma_start3A_5] : memref<64x768xf32, #tpu.memory_space<vmem>> -> memref<16x768xf32, #tpu.memory_space<vmem>>
    %dma_start3A_7 = arith.constant 0 : i32
    %dma_start3A_8 = tpu.memref_slice %arg2[%add3A_4, %dma_start3A_7] : memref<2048x768xf32, #tpu.memory_space<hbm>> -> memref<16x768xf32, #tpu.memory_space<hbm>>
    %dma_start3A_9 = arith.constant 0 : i32
    %dma_start3A_10 = arith.constant 0 : i32
    %dma_start3A_11 = tpu.memref_slice %arg8[%dma_start3A_9, %dma_start3A_10] : memref<64x768xf32, #tpu.memory_space<vmem>> -> memref<16x768xf32, #tpu.memory_space<vmem>>
    %dma_start3A_12 = arith.constant 0 : i32
    %dma_start3A_13 = tpu.memref_slice %arg2[%add3A_4, %dma_start3A_12] : memref<2048x768xf32, #tpu.memory_space<hbm>> -> memref<16x768xf32, #tpu.memory_space<hbm>>
    tpu.enqueue_dma source(%dma_start3A_13 : memref<16x768xf32, #tpu.memory_space<hbm>>) target(%dma_start3A_11 : memref<16x768xf32, #tpu.memory_space<vmem>>) target_semaphore(%arg10 : memref<!tpu.dma_semaphore, #tpu.memory_space<semaphore_mem>>)
    %add3A_14 = arith.constant 16 : i32
    %add3A_15 = arith.addi %mul3A_2, %add3A_14 : i32
    %dma_start3A_16 = arith.constant 16 : i32
    %dma_start3A_17 = arith.constant 0 : i32
    %dma_start3A_18 = tpu.memref_slice %arg8[%dma_start3A_16, %dma_start3A_17] : memref<64x768xf32, #tpu.memory_space<vmem>> -> memref<16x768xf32, #tpu.memory_space<vmem>>
    %dma_start3A_19 = arith.constant 0 : i32
    %dma_start3A_20 = tpu.memref_slice %arg2[%add3A_15, %dma_start3A_19] : memref<2048x768xf32, #tpu.memory_space<hbm>> -> memref<16x768xf32, #tpu.memory_space<hbm>>
    %dma_start3A_21 = arith.constant 16 : i32
    %dma_start3A_22 = arith.constant 0 : i32
    %dma_start3A_23 = tpu.memref_slice %arg8[%dma_start3A_21, %dma_start3A_22] : memref<64x768xf32, #tpu.memory_space<vmem>> -> memref<16x768xf32, #tpu.memory_space<vmem>>
    %dma_start3A_24 = arith.constant 0 : i32
    %dma_start3A_25 = tpu.memref_slice %arg2[%add3A_15, %dma_start3A_24] : memref<2048x768xf32, #tpu.memory_space<hbm>> -> memref<16x768xf32, #tpu.memory_space<hbm>>
    tpu.enqueue_dma source(%dma_start3A_25 : memref<16x768xf32, #tpu.memory_space<hbm>>) target(%dma_start3A_23 : memref<16x768xf32, #tpu.memory_space<vmem>>) target_semaphore(%arg11 : memref<!tpu.dma_semaphore, #tpu.memory_space<semaphore_mem>>)
    %add3A_26 = arith.constant 32 : i32
    %add3A_27 = arith.addi %mul3A_2, %add3A_26 : i32
    %dma_start3A_28 = arith.constant 32 : i32
    %dma_start3A_29 = arith.constant 0 : i32
    %dma_start3A_30 = tpu.memref_slice %arg8[%dma_start3A_28, %dma_start3A_29] : memref<64x768xf32, #tpu.memory_space<vmem>> -> memref<16x768xf32, #tpu.memory_space<vmem>>
    %dma_start3A_31 = arith.constant 0 : i32
    %dma_start3A_32 = tpu.memref_slice %arg2[%add3A_27, %dma_start3A_31] : memref<2048x768xf32, #tpu.memory_space<hbm>> -> memref<16x768xf32, #tpu.memory_space<hbm>>
    %dma_start3A_33 = arith.constant 32 : i32
    %dma_start3A_34 = arith.constant 0 : i32
    %dma_start3A_35 = tpu.memref_slice %arg8[%dma_start3A_33, %dma_start3A_34] : memref<64x768xf32, #tpu.memory_space<vmem>> -> memref<16x768xf32, #tpu.memory_space<vmem>>
    %dma_start3A_36 = arith.constant 0 : i32
    %dma_start3A_37 = tpu.memref_slice %arg2[%add3A_27, %dma_start3A_36] : memref<2048x768xf32, #tpu.memory_space<hbm>> -> memref<16x768xf32, #tpu.memory_space<hbm>>
    tpu.enqueue_dma source(%dma_start3A_37 : memref<16x768xf32, #tpu.memory_space<hbm>>) target(%dma_start3A_35 : memref<16x768xf32, #tpu.memory_space<vmem>>) target_semaphore(%arg12 : memref<!tpu.dma_semaphore, #tpu.memory_space<semaphore_mem>>)
    %add3A_38 = arith.constant 48 : i32
    %add3A_39 = arith.addi %mul3A_2, %add3A_38 : i32
    %dma_start3A_40 = arith.constant 48 : i32
    %dma_start3A_41 = arith.constant 0 : i32
    %dma_start3A_42 = tpu.memref_slice %arg8[%dma_start3A_40, %dma_start3A_41] : memref<64x768xf32, #tpu.memory_space<vmem>> -> memref<16x768xf32, #tpu.memory_space<vmem>>
    %dma_start3A_43 = arith.constant 0 : i32
    %dma_start3A_44 = tpu.memref_slice %arg2[%add3A_39, %dma_start3A_43] : memref<2048x768xf32, #tpu.memory_space<hbm>> -> memref<16x768xf32, #tpu.memory_space<hbm>>
    %dma_start3A_45 = arith.constant 48 : i32
    %dma_start3A_46 = arith.constant 0 : i32
    %dma_start3A_47 = tpu.memref_slice %arg8[%dma_start3A_45, %dma_start3A_46] : memref<64x768xf32, #tpu.memory_space<vmem>> -> memref<16x768xf32, #tpu.memory_space<vmem>>
    %dma_start3A_48 = arith.constant 0 : i32
    %dma_start3A_49 = tpu.memref_slice %arg2[%add3A_39, %dma_start3A_48] : memref<2048x768xf32, #tpu.memory_space<hbm>> -> memref<16x768xf32, #tpu.memory_space<hbm>>
    tpu.enqueue_dma source(%dma_start3A_49 : memref<16x768xf32, #tpu.memory_space<hbm>>) target(%dma_start3A_47 : memref<16x768xf32, #tpu.memory_space<vmem>>) target_semaphore(%arg13 : memref<!tpu.dma_semaphore, #tpu.memory_space<semaphore_mem>>)
    %dma_start3A_50 = arith.constant 0 : i32
    %dma_start3A_51 = tpu.memref_slice %arg3[%mul3A_2, %dma_start3A_50] : memref<2048x128xf32, #tpu.memory_space<hbm>> -> memref<64x128xf32, #tpu.memory_space<hbm>>
    %dma_start3A_52 = arith.constant 0 : i32
    %dma_start3A_53 = tpu.memref_slice %arg3[%mul3A_2, %dma_start3A_52] : memref<2048x128xf32, #tpu.memory_space<hbm>> -> memref<64x128xf32, #tpu.memory_space<hbm>>
    tpu.enqueue_dma source(%dma_start3A_53 : memref<64x128xf32, #tpu.memory_space<hbm>>) target(%arg9 : memref<64x128xf32, #tpu.memory_space<vmem>>) target_semaphore(%arg14 : memref<!tpu.dma_semaphore, #tpu.memory_space<semaphore_mem>>)
    %dma_wait3A = arith.constant 0 : i32
    %dma_wait3A_54 = arith.constant 0 : i32
    %dma_wait3A_55 = tpu.memref_slice %arg8[%dma_wait3A, %dma_wait3A_54] : memref<64x768xf32, #tpu.memory_space<vmem>> -> memref<16x768xf32, #tpu.memory_space<vmem>>
    %dma_wait3A_56 = arith.constant 0 : i32
    %dma_wait3A_57 = tpu.memref_slice %arg2[%add3A_4, %dma_wait3A_56] : memref<2048x768xf32, #tpu.memory_space<hbm>> -> memref<16x768xf32, #tpu.memory_space<hbm>>
    %dma_wait3A_58 = arith.constant 0 : i32
    %dma_wait3A_59 = arith.constant 0 : i32
    %dma_wait3A_60 = tpu.memref_slice %arg8[%dma_wait3A_58, %dma_wait3A_59] : memref<64x768xf32, #tpu.memory_space<vmem>> -> memref<16x768xf32, #tpu.memory_space<vmem>>
    %dma_wait3A_61 = arith.constant 0 : i32
    %dma_wait3A_62 = tpu.memref_slice %arg2[%add3A_4, %dma_wait3A_61] : memref<2048x768xf32, #tpu.memory_space<hbm>> -> memref<16x768xf32, #tpu.memory_space<hbm>>
    tpu.wait_dma2 semaphore(%arg10 : memref<!tpu.dma_semaphore, #tpu.memory_space<semaphore_mem>>) src(%dma_wait3A_62 : memref<16x768xf32, #tpu.memory_space<hbm>>) dst(%dma_wait3A_60 : memref<16x768xf32, #tpu.memory_space<vmem>>)
    %dma_start3A_63 = arith.constant 0 : i32
    %dma_start3A_64 = arith.constant 0 : i32
    %dma_start3A_65 = arith.constant 0 : i32
    %dma_start3A_66 = tpu.memref_slice %arg8[%dma_start3A_64, %dma_start3A_65] : memref<64x768xf32, #tpu.memory_space<vmem>> -> memref<16x768xf32, #tpu.memory_space<vmem>>
    %dma_start3A_67 = arith.constant 0 : i32
    %dma_start3A_68 = tpu.memref_slice %arg7[%dma_start3A_63, %dma_start3A_67] : memref<4x16xi32, #tpu.memory_space<vmem>> -> memref<1x16xi32, #tpu.memory_space<vmem>>
    %dma_start3A_69 = tpu.memref_squeeze %dma_start3A_68 : memref<1x16xi32, #tpu.memory_space<vmem>> -> memref<16xi32, #tpu.memory_space<vmem>>
    %dma_start3A_70 = arith.constant 0 : i32
    %dma_start3A_71 = arith.constant 0 : i32
    %dma_start3A_72 = tpu.memref_slice %arg5[%dma_start3A_70, %dma_start3A_71] : memref<2560x768xf32, #tpu.memory_space<hbm>> -> memref<2560x768xf32, #tpu.memory_space<hbm>>
    tpu.enqueue_indirect_dma source(%dma_start3A_66 : memref<16x768xf32, #tpu.memory_space<vmem>>) target(%dma_start3A_72 : memref<2560x768xf32, #tpu.memory_space<hbm>>) offsets(%dma_start3A_69 : memref<16xi32, #tpu.memory_space<vmem>>) semaphore(%arg15 : memref<!tpu.dma_semaphore, #tpu.memory_space<semaphore_mem>>)
    %dma_wait3A_73 = arith.constant 16 : i32
    %dma_wait3A_74 = arith.constant 0 : i32
    %dma_wait3A_75 = tpu.memref_slice %arg8[%dma_wait3A_73, %dma_wait3A_74] : memref<64x768xf32, #tpu.memory_space<vmem>> -> memref<16x768xf32, #tpu.memory_space<vmem>>
    %dma_wait3A_76 = arith.constant 0 : i32
    %dma_wait3A_77 = tpu.memref_slice %arg2[%add3A_15, %dma_wait3A_76] : memref<2048x768xf32, #tpu.memory_space<hbm>> -> memref<16x768xf32, #tpu.memory_space<hbm>>
    %dma_wait3A_78 = arith.constant 16 : i32
    %dma_wait3A_79 = arith.constant 0 : i32
    %dma_wait3A_80 = tpu.memref_slice %arg8[%dma_wait3A_78, %dma_wait3A_79] : memref<64x768xf32, #tpu.memory_space<vmem>> -> memref<16x768xf32, #tpu.memory_space<vmem>>
    %dma_wait3A_81 = arith.constant 0 : i32
    %dma_wait3A_82 = tpu.memref_slice %arg2[%add3A_15, %dma_wait3A_81] : memref<2048x768xf32, #tpu.memory_space<hbm>> -> memref<16x768xf32, #tpu.memory_space<hbm>>
    tpu.wait_dma2 semaphore(%arg11 : memref<!tpu.dma_semaphore, #tpu.memory_space<semaphore_mem>>) src(%dma_wait3A_82 : memref<16x768xf32, #tpu.memory_space<hbm>>) dst(%dma_wait3A_80 : memref<16x768xf32, #tpu.memory_space<vmem>>)
    %dma_start3A_83 = arith.constant 1 : i32
    %dma_start3A_84 = arith.constant 16 : i32
    %dma_start3A_85 = arith.constant 0 : i32
    %dma_start3A_86 = tpu.memref_slice %arg8[%dma_start3A_84, %dma_start3A_85] : memref<64x768xf32, #tpu.memory_space<vmem>> -> memref<16x768xf32, #tpu.memory_space<vmem>>
    %dma_start3A_87 = arith.constant 0 : i32
    %dma_start3A_88 = tpu.memref_slice %arg7[%dma_start3A_83, %dma_start3A_87] : memref<4x16xi32, #tpu.memory_space<vmem>> -> memref<1x16xi32, #tpu.memory_space<vmem>>
    %dma_start3A_89 = tpu.memref_squeeze %dma_start3A_88 : memref<1x16xi32, #tpu.memory_space<vmem>> -> memref<16xi32, #tpu.memory_space<vmem>>
    %dma_start3A_90 = arith.constant 0 : i32
    %dma_start3A_91 = arith.constant 0 : i32
    %dma_start3A_92 = tpu.memref_slice %arg5[%dma_start3A_90, %dma_start3A_91] : memref<2560x768xf32, #tpu.memory_space<hbm>> -> memref<2560x768xf32, #tpu.memory_space<hbm>>
    tpu.enqueue_indirect_dma source(%dma_start3A_86 : memref<16x768xf32, #tpu.memory_space<vmem>>) target(%dma_start3A_92 : memref<2560x768xf32, #tpu.memory_space<hbm>>) offsets(%dma_start3A_89 : memref<16xi32, #tpu.memory_space<vmem>>) semaphore(%arg15 : memref<!tpu.dma_semaphore, #tpu.memory_space<semaphore_mem>>)
    %dma_wait3A_93 = arith.constant 32 : i32
    %dma_wait3A_94 = arith.constant 0 : i32
    %dma_wait3A_95 = tpu.memref_slice %arg8[%dma_wait3A_93, %dma_wait3A_94] : memref<64x768xf32, #tpu.memory_space<vmem>> -> memref<16x768xf32, #tpu.memory_space<vmem>>
    %dma_wait3A_96 = arith.constant 0 : i32
    %dma_wait3A_97 = tpu.memref_slice %arg2[%add3A_27, %dma_wait3A_96] : memref<2048x768xf32, #tpu.memory_space<hbm>> -> memref<16x768xf32, #tpu.memory_space<hbm>>
    %dma_wait3A_98 = arith.constant 32 : i32
    %dma_wait3A_99 = arith.constant 0 : i32
    %dma_wait3A_100 = tpu.memref_slice %arg8[%dma_wait3A_98, %dma_wait3A_99] : memref<64x768xf32, #tpu.memory_space<vmem>> -> memref<16x768xf32, #tpu.memory_space<vmem>>
    %dma_wait3A_101 = arith.constant 0 : i32
    %dma_wait3A_102 = tpu.memref_slice %arg2[%add3A_27, %dma_wait3A_101] : memref<2048x768xf32, #tpu.memory_space<hbm>> -> memref<16x768xf32, #tpu.memory_space<hbm>>
    tpu.wait_dma2 semaphore(%arg12 : memref<!tpu.dma_semaphore, #tpu.memory_space<semaphore_mem>>) src(%dma_wait3A_102 : memref<16x768xf32, #tpu.memory_space<hbm>>) dst(%dma_wait3A_100 : memref<16x768xf32, #tpu.memory_space<vmem>>)
    %dma_start3A_103 = arith.constant 2 : i32
    %dma_start3A_104 = arith.constant 32 : i32
    %dma_start3A_105 = arith.constant 0 : i32
    %dma_start3A_106 = tpu.memref_slice %arg8[%dma_start3A_104, %dma_start3A_105] : memref<64x768xf32, #tpu.memory_space<vmem>> -> memref<16x768xf32, #tpu.memory_space<vmem>>
    %dma_start3A_107 = arith.constant 0 : i32
    %dma_start3A_108 = tpu.memref_slice %arg7[%dma_start3A_103, %dma_start3A_107] : memref<4x16xi32, #tpu.memory_space<vmem>> -> memref<1x16xi32, #tpu.memory_space<vmem>>
    %dma_start3A_109 = tpu.memref_squeeze %dma_start3A_108 : memref<1x16xi32, #tpu.memory_space<vmem>> -> memref<16xi32, #tpu.memory_space<vmem>>
    %dma_start3A_110 = arith.constant 0 : i32
    %dma_start3A_111 = arith.constant 0 : i32
    %dma_start3A_112 = tpu.memref_slice %arg5[%dma_start3A_110, %dma_start3A_111] : memref<2560x768xf32, #tpu.memory_space<hbm>> -> memref<2560x768xf32, #tpu.memory_space<hbm>>
    tpu.enqueue_indirect_dma source(%dma_start3A_106 : memref<16x768xf32, #tpu.memory_space<vmem>>) target(%dma_start3A_112 : memref<2560x768xf32, #tpu.memory_space<hbm>>) offsets(%dma_start3A_109 : memref<16xi32, #tpu.memory_space<vmem>>) semaphore(%arg15 : memref<!tpu.dma_semaphore, #tpu.memory_space<semaphore_mem>>)
    %dma_wait3A_113 = arith.constant 48 : i32
    %dma_wait3A_114 = arith.constant 0 : i32
    %dma_wait3A_115 = tpu.memref_slice %arg8[%dma_wait3A_113, %dma_wait3A_114] : memref<64x768xf32, #tpu.memory_space<vmem>> -> memref<16x768xf32, #tpu.memory_space<vmem>>
    %dma_wait3A_116 = arith.constant 0 : i32
    %dma_wait3A_117 = tpu.memref_slice %arg2[%add3A_39, %dma_wait3A_116] : memref<2048x768xf32, #tpu.memory_space<hbm>> -> memref<16x768xf32, #tpu.memory_space<hbm>>
    %dma_wait3A_118 = arith.constant 48 : i32
    %dma_wait3A_119 = arith.constant 0 : i32
    %dma_wait3A_120 = tpu.memref_slice %arg8[%dma_wait3A_118, %dma_wait3A_119] : memref<64x768xf32, #tpu.memory_space<vmem>> -> memref<16x768xf32, #tpu.memory_space<vmem>>
    %dma_wait3A_121 = arith.constant 0 : i32
    %dma_wait3A_122 = tpu.memref_slice %arg2[%add3A_39, %dma_wait3A_121] : memref<2048x768xf32, #tpu.memory_space<hbm>> -> memref<16x768xf32, #tpu.memory_space<hbm>>
    tpu.wait_dma2 semaphore(%arg13 : memref<!tpu.dma_semaphore, #tpu.memory_space<semaphore_mem>>) src(%dma_wait3A_122 : memref<16x768xf32, #tpu.memory_space<hbm>>) dst(%dma_wait3A_120 : memref<16x768xf32, #tpu.memory_space<vmem>>)
    %dma_start3A_123 = arith.constant 3 : i32
    %dma_start3A_124 = arith.constant 48 : i32
    %dma_start3A_125 = arith.constant 0 : i32
    %dma_start3A_126 = tpu.memref_slice %arg8[%dma_start3A_124, %dma_start3A_125] : memref<64x768xf32, #tpu.memory_space<vmem>> -> memref<16x768xf32, #tpu.memory_space<vmem>>
    %dma_start3A_127 = arith.constant 0 : i32
    %dma_start3A_128 = tpu.memref_slice %arg7[%dma_start3A_123, %dma_start3A_127] : memref<4x16xi32, #tpu.memory_space<vmem>> -> memref<1x16xi32, #tpu.memory_space<vmem>>
    %dma_start3A_129 = tpu.memref_squeeze %dma_start3A_128 : memref<1x16xi32, #tpu.memory_space<vmem>> -> memref<16xi32, #tpu.memory_space<vmem>>
    %dma_start3A_130 = arith.constant 0 : i32
    %dma_start3A_131 = arith.constant 0 : i32
    %dma_start3A_132 = tpu.memref_slice %arg5[%dma_start3A_130, %dma_start3A_131] : memref<2560x768xf32, #tpu.memory_space<hbm>> -> memref<2560x768xf32, #tpu.memory_space<hbm>>
    tpu.enqueue_indirect_dma source(%dma_start3A_126 : memref<16x768xf32, #tpu.memory_space<vmem>>) target(%dma_start3A_132 : memref<2560x768xf32, #tpu.memory_space<hbm>>) offsets(%dma_start3A_129 : memref<16xi32, #tpu.memory_space<vmem>>) semaphore(%arg15 : memref<!tpu.dma_semaphore, #tpu.memory_space<semaphore_mem>>)
    %dma_wait3A_133 = arith.constant 0 : i32
    %dma_wait3A_134 = tpu.memref_slice %arg3[%mul3A_2, %dma_wait3A_133] : memref<2048x128xf32, #tpu.memory_space<hbm>> -> memref<64x128xf32, #tpu.memory_space<hbm>>
    %dma_wait3A_135 = arith.constant 0 : i32
    %dma_wait3A_136 = tpu.memref_slice %arg3[%mul3A_2, %dma_wait3A_135] : memref<2048x128xf32, #tpu.memory_space<hbm>> -> memref<64x128xf32, #tpu.memory_space<hbm>>
    tpu.wait_dma2 semaphore(%arg14 : memref<!tpu.dma_semaphore, #tpu.memory_space<semaphore_mem>>) src(%dma_wait3A_136 : memref<64x128xf32, #tpu.memory_space<hbm>>) dst(%arg9 : memref<64x128xf32, #tpu.memory_space<vmem>>)
    %dma_start3A_137 = arith.constant 0 : i32
    %dma_start3A_138 = arith.constant 0 : i32
    %dma_start3A_139 = arith.constant 0 : i32
    %dma_start3A_140 = tpu.memref_slice %arg9[%dma_start3A_138, %dma_start3A_139] : memref<64x128xf32, #tpu.memory_space<vmem>> -> memref<16x128xf32, #tpu.memory_space<vmem>>
    %dma_start3A_141 = arith.constant 0 : i32
    %dma_start3A_142 = tpu.memref_slice %arg7[%dma_start3A_137, %dma_start3A_141] : memref<4x16xi32, #tpu.memory_space<vmem>> -> memref<1x16xi32, #tpu.memory_space<vmem>>
    %dma_start3A_143 = tpu.memref_squeeze %dma_start3A_142 : memref<1x16xi32, #tpu.memory_space<vmem>> -> memref<16xi32, #tpu.memory_space<vmem>>
    %dma_start3A_144 = arith.constant 0 : i32
    %dma_start3A_145 = arith.constant 0 : i32
    %dma_start3A_146 = tpu.memref_slice %arg6[%dma_start3A_144, %dma_start3A_145] : memref<2560x128xf32, #tpu.memory_space<hbm>> -> memref<2560x128xf32, #tpu.memory_space<hbm>>
    tpu.enqueue_indirect_dma source(%dma_start3A_140 : memref<16x128xf32, #tpu.memory_space<vmem>>) target(%dma_start3A_146 : memref<2560x128xf32, #tpu.memory_space<hbm>>) offsets(%dma_start3A_143 : memref<16xi32, #tpu.memory_space<vmem>>) semaphore(%arg15 : memref<!tpu.dma_semaphore, #tpu.memory_space<semaphore_mem>>)
    %dma_start3A_147 = arith.constant 1 : i32
    %dma_start3A_148 = arith.constant 16 : i32
    %dma_start3A_149 = arith.constant 0 : i32
    %dma_start3A_150 = tpu.memref_slice %arg9[%dma_start3A_148, %dma_start3A_149] : memref<64x128xf32, #tpu.memory_space<vmem>> -> memref<16x128xf32, #tpu.memory_space<vmem>>
    %dma_start3A_151 = arith.constant 0 : i32
    %dma_start3A_152 = tpu.memref_slice %arg7[%dma_start3A_147, %dma_start3A_151] : memref<4x16xi32, #tpu.memory_space<vmem>> -> memref<1x16xi32, #tpu.memory_space<vmem>>
    %dma_start3A_153 = tpu.memref_squeeze %dma_start3A_152 : memref<1x16xi32, #tpu.memory_space<vmem>> -> memref<16xi32, #tpu.memory_space<vmem>>
    %dma_start3A_154 = arith.constant 0 : i32
    %dma_start3A_155 = arith.constant 0 : i32
    %dma_start3A_156 = tpu.memref_slice %arg6[%dma_start3A_154, %dma_start3A_155] : memref<2560x128xf32, #tpu.memory_space<hbm>> -> memref<2560x128xf32, #tpu.memory_space<hbm>>
    tpu.enqueue_indirect_dma source(%dma_start3A_150 : memref<16x128xf32, #tpu.memory_space<vmem>>) target(%dma_start3A_156 : memref<2560x128xf32, #tpu.memory_space<hbm>>) offsets(%dma_start3A_153 : memref<16xi32, #tpu.memory_space<vmem>>) semaphore(%arg15 : memref<!tpu.dma_semaphore, #tpu.memory_space<semaphore_mem>>)
    %dma_start3A_157 = arith.constant 2 : i32
    %dma_start3A_158 = arith.constant 32 : i32
    %dma_start3A_159 = arith.constant 0 : i32
    %dma_start3A_160 = tpu.memref_slice %arg9[%dma_start3A_158, %dma_start3A_159] : memref<64x128xf32, #tpu.memory_space<vmem>> -> memref<16x128xf32, #tpu.memory_space<vmem>>
    %dma_start3A_161 = arith.constant 0 : i32
    %dma_start3A_162 = tpu.memref_slice %arg7[%dma_start3A_157, %dma_start3A_161] : memref<4x16xi32, #tpu.memory_space<vmem>> -> memref<1x16xi32, #tpu.memory_space<vmem>>
    %dma_start3A_163 = tpu.memref_squeeze %dma_start3A_162 : memref<1x16xi32, #tpu.memory_space<vmem>> -> memref<16xi32, #tpu.memory_space<vmem>>
    %dma_start3A_164 = arith.constant 0 : i32
    %dma_start3A_165 = arith.constant 0 : i32
    %dma_start3A_166 = tpu.memref_slice %arg6[%dma_start3A_164, %dma_start3A_165] : memref<2560x128xf32, #tpu.memory_space<hbm>> -> memref<2560x128xf32, #tpu.memory_space<hbm>>
    tpu.enqueue_indirect_dma source(%dma_start3A_160 : memref<16x128xf32, #tpu.memory_space<vmem>>) target(%dma_start3A_166 : memref<2560x128xf32, #tpu.memory_space<hbm>>) offsets(%dma_start3A_163 : memref<16xi32, #tpu.memory_space<vmem>>) semaphore(%arg15 : memref<!tpu.dma_semaphore, #tpu.memory_space<semaphore_mem>>)
    %dma_start3A_167 = arith.constant 3 : i32
    %dma_start3A_168 = arith.constant 48 : i32
    %dma_start3A_169 = arith.constant 0 : i32
    %dma_start3A_170 = tpu.memref_slice %arg9[%dma_start3A_168, %dma_start3A_169] : memref<64x128xf32, #tpu.memory_space<vmem>> -> memref<16x128xf32, #tpu.memory_space<vmem>>
    %dma_start3A_171 = arith.constant 0 : i32
    %dma_start3A_172 = tpu.memref_slice %arg7[%dma_start3A_167, %dma_start3A_171] : memref<4x16xi32, #tpu.memory_space<vmem>> -> memref<1x16xi32, #tpu.memory_space<vmem>>
    %dma_start3A_173 = tpu.memref_squeeze %dma_start3A_172 : memref<1x16xi32, #tpu.memory_space<vmem>> -> memref<16xi32, #tpu.memory_space<vmem>>
    %dma_start3A_174 = arith.constant 0 : i32
    %dma_start3A_175 = arith.constant 0 : i32
    %dma_start3A_176 = tpu.memref_slice %arg6[%dma_start3A_174, %dma_start3A_175] : memref<2560x128xf32, #tpu.memory_space<hbm>> -> memref<2560x128xf32, #tpu.memory_space<hbm>>
    tpu.enqueue_indirect_dma source(%dma_start3A_170 : memref<16x128xf32, #tpu.memory_space<vmem>>) target(%dma_start3A_176 : memref<2560x128xf32, #tpu.memory_space<hbm>>) offsets(%dma_start3A_173 : memref<16xi32, #tpu.memory_space<vmem>>) semaphore(%arg15 : memref<!tpu.dma_semaphore, #tpu.memory_space<semaphore_mem>>)
    %dma_wait3A_177 = arith.constant 0 : i32
    %dma_wait3A_178 = arith.constant 0 : i32
    %dma_wait3A_179 = arith.constant 0 : i32
    %dma_wait3A_180 = tpu.memref_slice %arg8[%dma_wait3A_178, %dma_wait3A_179] : memref<64x768xf32, #tpu.memory_space<vmem>> -> memref<16x768xf32, #tpu.memory_space<vmem>>
    %dma_wait3A_181 = arith.constant 0 : i32
    %dma_wait3A_182 = tpu.memref_slice %arg7[%dma_wait3A_177, %dma_wait3A_181] : memref<4x16xi32, #tpu.memory_space<vmem>> -> memref<1x16xi32, #tpu.memory_space<vmem>>
    %dma_wait3A_183 = tpu.memref_squeeze %dma_wait3A_182 : memref<1x16xi32, #tpu.memory_space<vmem>> -> memref<16xi32, #tpu.memory_space<vmem>>
    %dma_wait3A_184 = arith.constant 0 : i32
    %dma_wait3A_185 = arith.constant 0 : i32
    %dma_wait3A_186 = tpu.memref_slice %arg5[%dma_wait3A_184, %dma_wait3A_185] : memref<2560x768xf32, #tpu.memory_space<hbm>> -> memref<2560x768xf32, #tpu.memory_space<hbm>>
    tpu.wait_indirect_dma semaphore(%arg15 : memref<!tpu.dma_semaphore, #tpu.memory_space<semaphore_mem>>) src(%dma_wait3A_180 : memref<16x768xf32, #tpu.memory_space<vmem>>) dst(%dma_wait3A_186 : memref<2560x768xf32, #tpu.memory_space<hbm>>)
    %dma_wait3A_187 = arith.constant 1 : i32
    %dma_wait3A_188 = arith.constant 16 : i32
    %dma_wait3A_189 = arith.constant 0 : i32
    %dma_wait3A_190 = tpu.memref_slice %arg8[%dma_wait3A_188, %dma_wait3A_189] : memref<64x768xf32, #tpu.memory_space<vmem>> -> memref<16x768xf32, #tpu.memory_space<vmem>>
    %dma_wait3A_191 = arith.constant 0 : i32
    %dma_wait3A_192 = tpu.memref_slice %arg7[%dma_wait3A_187, %dma_wait3A_191] : memref<4x16xi32, #tpu.memory_space<vmem>> -> memref<1x16xi32, #tpu.memory_space<vmem>>
    %dma_wait3A_193 = tpu.memref_squeeze %dma_wait3A_192 : memref<1x16xi32, #tpu.memory_space<vmem>> -> memref<16xi32, #tpu.memory_space<vmem>>
    %dma_wait3A_194 = arith.constant 0 : i32
    %dma_wait3A_195 = arith.constant 0 : i32
    %dma_wait3A_196 = tpu.memref_slice %arg5[%dma_wait3A_194, %dma_wait3A_195] : memref<2560x768xf32, #tpu.memory_space<hbm>> -> memref<2560x768xf32, #tpu.memory_space<hbm>>
    tpu.wait_indirect_dma semaphore(%arg15 : memref<!tpu.dma_semaphore, #tpu.memory_space<semaphore_mem>>) src(%dma_wait3A_190 : memref<16x768xf32, #tpu.memory_space<vmem>>) dst(%dma_wait3A_196 : memref<2560x768xf32, #tpu.memory_space<hbm>>)
    %dma_wait3A_197 = arith.constant 2 : i32
    %dma_wait3A_198 = arith.constant 32 : i32
    %dma_wait3A_199 = arith.constant 0 : i32
    %dma_wait3A_200 = tpu.memref_slice %arg8[%dma_wait3A_198, %dma_wait3A_199] : memref<64x768xf32, #tpu.memory_space<vmem>> -> memref<16x768xf32, #tpu.memory_space<vmem>>
    %dma_wait3A_201 = arith.constant 0 : i32
    %dma_wait3A_202 = tpu.memref_slice %arg7[%dma_wait3A_197, %dma_wait3A_201] : memref<4x16xi32, #tpu.memory_space<vmem>> -> memref<1x16xi32, #tpu.memory_space<vmem>>
    %dma_wait3A_203 = tpu.memref_squeeze %dma_wait3A_202 : memref<1x16xi32, #tpu.memory_space<vmem>> -> memref<16xi32, #tpu.memory_space<vmem>>
    %dma_wait3A_204 = arith.constant 0 : i32
    %dma_wait3A_205 = arith.constant 0 : i32
    %dma_wait3A_206 = tpu.memref_slice %arg5[%dma_wait3A_204, %dma_wait3A_205] : memref<2560x768xf32, #tpu.memory_space<hbm>> -> memref<2560x768xf32, #tpu.memory_space<hbm>>
    tpu.wait_indirect_dma semaphore(%arg15 : memref<!tpu.dma_semaphore, #tpu.memory_space<semaphore_mem>>) src(%dma_wait3A_200 : memref<16x768xf32, #tpu.memory_space<vmem>>) dst(%dma_wait3A_206 : memref<2560x768xf32, #tpu.memory_space<hbm>>)
    %dma_wait3A_207 = arith.constant 3 : i32
    %dma_wait3A_208 = arith.constant 48 : i32
    %dma_wait3A_209 = arith.constant 0 : i32
    %dma_wait3A_210 = tpu.memref_slice %arg8[%dma_wait3A_208, %dma_wait3A_209] : memref<64x768xf32, #tpu.memory_space<vmem>> -> memref<16x768xf32, #tpu.memory_space<vmem>>
    %dma_wait3A_211 = arith.constant 0 : i32
    %dma_wait3A_212 = tpu.memref_slice %arg7[%dma_wait3A_207, %dma_wait3A_211] : memref<4x16xi32, #tpu.memory_space<vmem>> -> memref<1x16xi32, #tpu.memory_space<vmem>>
    %dma_wait3A_213 = tpu.memref_squeeze %dma_wait3A_212 : memref<1x16xi32, #tpu.memory_space<vmem>> -> memref<16xi32, #tpu.memory_space<vmem>>
    %dma_wait3A_214 = arith.constant 0 : i32
    %dma_wait3A_215 = arith.constant 0 : i32
    %dma_wait3A_216 = tpu.memref_slice %arg5[%dma_wait3A_214, %dma_wait3A_215] : memref<2560x768xf32, #tpu.memory_space<hbm>> -> memref<2560x768xf32, #tpu.memory_space<hbm>>
    tpu.wait_indirect_dma semaphore(%arg15 : memref<!tpu.dma_semaphore, #tpu.memory_space<semaphore_mem>>) src(%dma_wait3A_210 : memref<16x768xf32, #tpu.memory_space<vmem>>) dst(%dma_wait3A_216 : memref<2560x768xf32, #tpu.memory_space<hbm>>)
    %dma_wait3A_217 = arith.constant 0 : i32
    %dma_wait3A_218 = arith.constant 0 : i32
    %dma_wait3A_219 = arith.constant 0 : i32
    %dma_wait3A_220 = tpu.memref_slice %arg9[%dma_wait3A_218, %dma_wait3A_219] : memref<64x128xf32, #tpu.memory_space<vmem>> -> memref<16x128xf32, #tpu.memory_space<vmem>>
    %dma_wait3A_221 = arith.constant 0 : i32
    %dma_wait3A_222 = tpu.memref_slice %arg7[%dma_wait3A_217, %dma_wait3A_221] : memref<4x16xi32, #tpu.memory_space<vmem>> -> memref<1x16xi32, #tpu.memory_space<vmem>>
    %dma_wait3A_223 = tpu.memref_squeeze %dma_wait3A_222 : memref<1x16xi32, #tpu.memory_space<vmem>> -> memref<16xi32, #tpu.memory_space<vmem>>
    %dma_wait3A_224 = arith.constant 0 : i32
    %dma_wait3A_225 = arith.constant 0 : i32
    %dma_wait3A_226 = tpu.memref_slice %arg6[%dma_wait3A_224, %dma_wait3A_225] : memref<2560x128xf32, #tpu.memory_space<hbm>> -> memref<2560x128xf32, #tpu.memory_space<hbm>>
    tpu.wait_indirect_dma semaphore(%arg15 : memref<!tpu.dma_semaphore, #tpu.memory_space<semaphore_mem>>) src(%dma_wait3A_220 : memref<16x128xf32, #tpu.memory_space<vmem>>) dst(%dma_wait3A_226 : memref<2560x128xf32, #tpu.memory_space<hbm>>)
    %dma_wait3A_227 = arith.constant 1 : i32
    %dma_wait3A_228 = arith.constant 16 : i32
    %dma_wait3A_229 = arith.constant 0 : i32
    %dma_wait3A_230 = tpu.memref_slice %arg9[%dma_wait3A_228, %dma_wait3A_229] : memref<64x128xf32, #tpu.memory_space<vmem>> -> memref<16x128xf32, #tpu.memory_space<vmem>>
    %dma_wait3A_231 = arith.constant 0 : i32
    %dma_wait3A_232 = tpu.memref_slice %arg7[%dma_wait3A_227, %dma_wait3A_231] : memref<4x16xi32, #tpu.memory_space<vmem>> -> memref<1x16xi32, #tpu.memory_space<vmem>>
    %dma_wait3A_233 = tpu.memref_squeeze %dma_wait3A_232 : memref<1x16xi32, #tpu.memory_space<vmem>> -> memref<16xi32, #tpu.memory_space<vmem>>
    %dma_wait3A_234 = arith.constant 0 : i32
    %dma_wait3A_235 = arith.constant 0 : i32
    %dma_wait3A_236 = tpu.memref_slice %arg6[%dma_wait3A_234, %dma_wait3A_235] : memref<2560x128xf32, #tpu.memory_space<hbm>> -> memref<2560x128xf32, #tpu.memory_space<hbm>>
    tpu.wait_indirect_dma semaphore(%arg15 : memref<!tpu.dma_semaphore, #tpu.memory_space<semaphore_mem>>) src(%dma_wait3A_230 : memref<16x128xf32, #tpu.memory_space<vmem>>) dst(%dma_wait3A_236 : memref<2560x128xf32, #tpu.memory_space<hbm>>)
    %dma_wait3A_237 = arith.constant 2 : i32
    %dma_wait3A_238 = arith.constant 32 : i32
    %dma_wait3A_239 = arith.constant 0 : i32
    %dma_wait3A_240 = tpu.memref_slice %arg9[%dma_wait3A_238, %dma_wait3A_239] : memref<64x128xf32, #tpu.memory_space<vmem>> -> memref<16x128xf32, #tpu.memory_space<vmem>>
    %dma_wait3A_241 = arith.constant 0 : i32
    %dma_wait3A_242 = tpu.memref_slice %arg7[%dma_wait3A_237, %dma_wait3A_241] : memref<4x16xi32, #tpu.memory_space<vmem>> -> memref<1x16xi32, #tpu.memory_space<vmem>>
    %dma_wait3A_243 = tpu.memref_squeeze %dma_wait3A_242 : memref<1x16xi32, #tpu.memory_space<vmem>> -> memref<16xi32, #tpu.memory_space<vmem>>
    %dma_wait3A_244 = arith.constant 0 : i32
    %dma_wait3A_245 = arith.constant 0 : i32
    %dma_wait3A_246 = tpu.memref_slice %arg6[%dma_wait3A_244, %dma_wait3A_245] : memref<2560x128xf32, #tpu.memory_space<hbm>> -> memref<2560x128xf32, #tpu.memory_space<hbm>>
    tpu.wait_indirect_dma semaphore(%arg15 : memref<!tpu.dma_semaphore, #tpu.memory_space<semaphore_mem>>) src(%dma_wait3A_240 : memref<16x128xf32, #tpu.memory_space<vmem>>) dst(%dma_wait3A_246 : memref<2560x128xf32, #tpu.memory_space<hbm>>)
    %dma_wait3A_247 = arith.constant 3 : i32
    %dma_wait3A_248 = arith.constant 48 : i32
    %dma_wait3A_249 = arith.constant 0 : i32
    %dma_wait3A_250 = tpu.memref_slice %arg9[%dma_wait3A_248, %dma_wait3A_249] : memref<64x128xf32, #tpu.memory_space<vmem>> -> memref<16x128xf32, #tpu.memory_space<vmem>>
    %dma_wait3A_251 = arith.constant 0 : i32
    %dma_wait3A_252 = tpu.memref_slice %arg7[%dma_wait3A_247, %dma_wait3A_251] : memref<4x16xi32, #tpu.memory_space<vmem>> -> memref<1x16xi32, #tpu.memory_space<vmem>>
    %dma_wait3A_253 = tpu.memref_squeeze %dma_wait3A_252 : memref<1x16xi32, #tpu.memory_space<vmem>> -> memref<16xi32, #tpu.memory_space<vmem>>
    %dma_wait3A_254 = arith.constant 0 : i32
    %dma_wait3A_255 = arith.constant 0 : i32
    %dma_wait3A_256 = tpu.memref_slice %arg6[%dma_wait3A_254, %dma_wait3A_255] : memref<2560x128xf32, #tpu.memory_space<hbm>> -> memref<2560x128xf32, #tpu.memory_space<hbm>>
    tpu.wait_indirect_dma semaphore(%arg15 : memref<!tpu.dma_semaphore, #tpu.memory_space<semaphore_mem>>) src(%dma_wait3A_250 : memref<16x128xf32, #tpu.memory_space<vmem>>) dst(%dma_wait3A_256 : memref<2560x128xf32, #tpu.memory_space<hbm>>)
    return
  }
}

module attributes {stable_mosaic.version = 14 : i64} {
  func.func @_router_body(%arg0: memref<2048x64xf32, #tpu.memory_space<vmem>>, %arg1: memref<2048x1xi32, #tpu.memory_space<vmem>>, %arg2: memref<2048x128xf32, #tpu.memory_space<vmem>>, %arg3: memref<8x128xi32, #tpu.memory_space<vmem>>) attributes {dimension_semantics = [], scalar_prefetch = 0 : i64, scratch_operands = 0 : i64, tpu.core_type = #tpu.core_type<tc>} {
    %get3A = arith.constant 0 : index
    %get3A_0 = arith.constant 0 : index
    %get3A_1 = vector.load %arg0[%get3A, %get3A_0] : memref<2048x64xf32, #tpu.memory_space<vmem>>, vector<2048x64xf32>
    %reduce_max3A = arith.constant dense<0xFF800000> : vector<2048xf32>
    %reduce_max3A_2 = vector.multi_reduction <maximumf>, %get3A_1, %reduce_max3A [1] : vector<2048x64xf32> to vector<2048xf32>
    %broadcast_in_dim3A = vector.shape_cast %reduce_max3A_2 : vector<2048xf32> to vector<2048x1xf32>
    %sub3A = vector.broadcast %broadcast_in_dim3A : vector<2048x1xf32> to vector<2048x64xf32>
    %sub3A_3 = arith.subf %get3A_1, %sub3A : vector<2048x64xf32>
    %exp3A = math.exp %sub3A_3 : vector<2048x64xf32>
    %reduce_sum3A = arith.constant dense<0.000000e+00> : vector<2048xf32>
    %reduce_sum3A_4 = vector.multi_reduction <add>, %exp3A, %reduce_sum3A [1] : vector<2048x64xf32> to vector<2048xf32>
    %broadcast_in_dim3A_5 = vector.shape_cast %reduce_sum3A_4 : vector<2048xf32> to vector<2048x1xf32>
    %div3A = arith.constant 1.000000e+00 : f32
    %div3A_6 = vector.broadcast %div3A : f32 to vector<2048x1xf32>
    %div3A_7 = arith.divf %div3A_6, %broadcast_in_dim3A_5 : vector<2048x1xf32>
    %broadcast_in_dim3A_8 = vector.shape_cast %div3A_7 : vector<2048x1xf32> to vector<2048x1xf32>
    %broadcast_in_dim3A_9 = vector.broadcast %broadcast_in_dim3A_8 : vector<2048x1xf32> to vector<2048x128xf32>
    %swap3A = arith.constant 0 : index
    %swap3A_10 = arith.constant 0 : index
    %swap3A_11 = vector.load %arg2[%swap3A, %swap3A_10] : memref<2048x128xf32, #tpu.memory_space<vmem>>, vector<2048x128xf32>
    tpu.vector_store %arg2[%swap3A, %swap3A_10], %broadcast_in_dim3A_9 {strides = array<i32>} : memref<2048x128xf32, #tpu.memory_space<vmem>>, vector<2048x128xf32>,
    %eq3A = vector.broadcast %broadcast_in_dim3A : vector<2048x1xf32> to vector<2048x64xf32>
    %eq3A_12 = arith.cmpf oeq, %get3A_1, %eq3A : vector<2048x64xf32>
    %convert_element_type3A = arith.extui %eq3A_12 : vector<2048x64xi1> to vector<2048x64xi32>
    %convert_element_type3A_13 = arith.sitofp %convert_element_type3A : vector<2048x64xi32> to vector<2048x64xf32>
    %iota3A = tpu.iota {dimensions = array<i32: 0>} : vector<64x64xi32>
    %iota3A_14 = tpu.iota {dimensions = array<i32: 1>} : vector<64x64xi32>
    %le3A = arith.cmpi sle, %iota3A, %iota3A_14 : vector<64x64xi32>
    %convert_element_type3A_15 = arith.extui %le3A : vector<64x64xi1> to vector<64x64xi32>
    %convert_element_type3A_16 = arith.sitofp %convert_element_type3A_15 : vector<64x64xi32> to vector<64x64xf32>
    %dot_general3A = arith.constant dense<0.000000e+00> : vector<2048x64xf32>
    %dot_general3A_17 = tpu.matmul %convert_element_type3A_13, %convert_element_type3A_16, %dot_general3A {dimension_numbers = #tpu.dot_dimension_numbers<[1], [0], [0], [1], [0, 0, 1, 1], [], []>, transpose_lhs_hint = false} : vector<2048x64xf32>, vector<64x64xf32>, vector<2048x64xf32> -> vector<2048x64xf32>
    %eq3A_18 = arith.constant 1.000000e+00 : f32
    %eq3A_19 = vector.broadcast %eq3A_18 : f32 to vector<2048x64xf32>
    %eq3A_20 = arith.cmpf oeq, %dot_general3A_17, %eq3A_19 : vector<2048x64xf32>
    %convert_element_type3A_21 = arith.extui %eq3A_20 : vector<2048x64xi1> to vector<2048x64xi32>
    %convert_element_type3A_22 = arith.sitofp %convert_element_type3A_21 : vector<2048x64xi32> to vector<2048x64xf32>
    %mul3A = arith.mulf %convert_element_type3A_13, %convert_element_type3A_22 : vector<2048x64xf32>
    %reduce_sum3A_23 = arith.constant dense<0.000000e+00> : vector<64xf32>
    %reduce_sum3A_24 = vector.multi_reduction <add>, %mul3A, %reduce_sum3A_23 [0] : vector<2048x64xf32> to vector<64xf32>
    %broadcast_in_dim3A_25 = vector.shape_cast %reduce_sum3A_24 : vector<64xf32> to vector<1x64xf32>
    %convert_element_type3A_26 = arith.fptosi %broadcast_in_dim3A_25 : vector<1x64xf32> to vector<1x64xi32>
    %add3A = arith.constant 7 : i32
    %add3A_27 = vector.broadcast %add3A : i32 to vector<1x64xi32>
    %add3A_28 = arith.addi %convert_element_type3A_26, %add3A_27 : vector<1x64xi32>
    %and3A = arith.constant -8 : i32
    %and3A_29 = vector.broadcast %and3A : i32 to vector<1x64xi32>
    %and3A_30 = arith.andi %add3A_28, %and3A_29 : vector<1x64xi32>
    %convert_element_type3A_31 = arith.sitofp %and3A_30 : vector<1x64xi32> to vector<1x64xf32>
    %iota3A_32 = tpu.iota {dimensions = array<i32: 0>} : vector<64x64xi32>
    %iota3A_33 = tpu.iota {dimensions = array<i32: 1>} : vector<64x64xi32>
    %lt3A = arith.cmpi slt, %iota3A_32, %iota3A_33 : vector<64x64xi32>
    %convert_element_type3A_34 = arith.extui %lt3A : vector<64x64xi1> to vector<64x64xi32>
    %convert_element_type3A_35 = arith.sitofp %convert_element_type3A_34 : vector<64x64xi32> to vector<64x64xf32>
    %dot_general3A_36 = arith.constant dense<0.000000e+00> : vector<1x64xf32>
    %dot_general3A_37 = tpu.matmul %convert_element_type3A_31, %convert_element_type3A_35, %dot_general3A_36 {dimension_numbers = #tpu.dot_dimension_numbers<[1], [0], [0], [1], [0, 0, 1, 1], [], []>, precision = #tpu.contract_precision<fp32>, transpose_lhs_hint = false} : vector<1x64xf32>, vector<64x64xf32>, vector<1x64xf32> -> vector<1x64xf32>
    %iota3A_38 = tpu.iota {dimensions = array<i32: 1>} : vector<256x256xi32>
    %iota3A_39 = tpu.iota {dimensions = array<i32: 0>} : vector<256x256xi32>
    %le3A_40 = arith.cmpi sle, %iota3A_38, %iota3A_39 : vector<256x256xi32>
    %convert_element_type3A_41 = arith.extui %le3A_40 : vector<256x256xi1> to vector<256x256xi32>
    %convert_element_type3A_42 = arith.sitofp %convert_element_type3A_41 : vector<256x256xi32> to vector<256x256xf32>
    %broadcast_in_dim3A_43 = arith.constant 0.000000e+00 : f32
    %broadcast_in_dim3A_44 = vector.broadcast %broadcast_in_dim3A_43 : f32 to vector<1x64xf32>
    %slice3A = vector.extract_strided_slice %mul3A {offsets = [0, 0], sizes = [256, 64], strides = [1, 1]} : vector<2048x64xf32> to vector<256x64xf32>
    %dot_general3A_45 = arith.constant dense<0.000000e+00> : vector<256x64xf32>
    %dot_general3A_46 = tpu.matmul %convert_element_type3A_42, %slice3A, %dot_general3A_45 {dimension_numbers = #tpu.dot_dimension_numbers<[1], [0], [0], [1], [0, 0, 1, 1], [], []>, transpose_lhs_hint = false} : vector<256x256xf32>, vector<256x64xf32>, vector<256x64xf32> -> vector<256x64xf32>
    %add3A_47 = vector.broadcast %broadcast_in_dim3A_44 : vector<1x64xf32> to vector<256x64xf32>
    %add3A_48 = arith.addf %dot_general3A_46, %add3A_47 : vector<256x64xf32>
    %add3A_49 = vector.broadcast %dot_general3A_37 : vector<1x64xf32> to vector<256x64xf32>
    %add3A_50 = arith.addf %add3A_49, %add3A_48 : vector<256x64xf32>
    %mul3A_51 = arith.mulf %slice3A, %add3A_50 : vector<256x64xf32>
    %reduce_sum3A_52 = arith.constant dense<0.000000e+00> : vector<256xf32>
    %reduce_sum3A_53 = vector.multi_reduction <add>, %mul3A_51, %reduce_sum3A_52 [1] : vector<256x64xf32> to vector<256xf32>
    %broadcast_in_dim3A_54 = vector.shape_cast %reduce_sum3A_53 : vector<256xf32> to vector<256x1xf32>
    %sub3A_55 = arith.constant 1.000000e+00 : f32
    %sub3A_56 = vector.broadcast %sub3A_55 : f32 to vector<256x1xf32>
    %sub3A_57 = arith.subf %broadcast_in_dim3A_54, %sub3A_56 : vector<256x1xf32>
    %convert_element_type3A_58 = arith.fptosi %sub3A_57 : vector<256x1xf32> to vector<256x1xi32>
    %swap3A_59 = arith.constant 0 : index
    %swap3A_60 = arith.constant 0 : index
    %swap3A_61 = vector.load %arg1[%swap3A_59, %swap3A_60] : memref<2048x1xi32, #tpu.memory_space<vmem>>, vector<256x1xi32>
    tpu.vector_store %arg1[%swap3A_59, %swap3A_60], %convert_element_type3A_58 {strides = array<i32>} : memref<2048x1xi32, #tpu.memory_space<vmem>>, vector<256x1xi32>,
    %reduce_sum3A_62 = arith.constant dense<0.000000e+00> : vector<64xf32>
    %reduce_sum3A_63 = vector.multi_reduction <add>, %slice3A, %reduce_sum3A_62 [0] : vector<256x64xf32> to vector<64xf32>
    %broadcast_in_dim3A_64 = vector.shape_cast %reduce_sum3A_63 : vector<64xf32> to vector<1x64xf32>
    %add3A_65 = arith.addf %broadcast_in_dim3A_44, %broadcast_in_dim3A_64 : vector<1x64xf32>
    %slice3A_66 = vector.extract_strided_slice %mul3A {offsets = [256, 0], sizes = [256, 64], strides = [1, 1]} : vector<2048x64xf32> to vector<256x64xf32>
    %dot_general3A_67 = arith.constant dense<0.000000e+00> : vector<256x64xf32>
    %dot_general3A_68 = tpu.matmul %convert_element_type3A_42, %slice3A_66, %dot_general3A_67 {dimension_numbers = #tpu.dot_dimension_numbers<[1], [0], [0], [1], [0, 0, 1, 1], [], []>, transpose_lhs_hint = false} : vector<256x256xf32>, vector<256x64xf32>, vector<256x64xf32> -> vector<256x64xf32>
    %add3A_69 = vector.broadcast %add3A_65 : vector<1x64xf32> to vector<256x64xf32>
    %add3A_70 = arith.addf %dot_general3A_68, %add3A_69 : vector<256x64xf32>
    %add3A_71 = vector.broadcast %dot_general3A_37 : vector<1x64xf32> to vector<256x64xf32>
    %add3A_72 = arith.addf %add3A_71, %add3A_70 : vector<256x64xf32>
    %mul3A_73 = arith.mulf %slice3A_66, %add3A_72 : vector<256x64xf32>
    %reduce_sum3A_74 = arith.constant dense<0.000000e+00> : vector<256xf32>
    %reduce_sum3A_75 = vector.multi_reduction <add>, %mul3A_73, %reduce_sum3A_74 [1] : vector<256x64xf32> to vector<256xf32>
    %broadcast_in_dim3A_76 = vector.shape_cast %reduce_sum3A_75 : vector<256xf32> to vector<256x1xf32>
    %sub3A_77 = arith.constant 1.000000e+00 : f32
    %sub3A_78 = vector.broadcast %sub3A_77 : f32 to vector<256x1xf32>
    %sub3A_79 = arith.subf %broadcast_in_dim3A_76, %sub3A_78 : vector<256x1xf32>
    %convert_element_type3A_80 = arith.fptosi %sub3A_79 : vector<256x1xf32> to vector<256x1xi32>
    %swap3A_81 = arith.constant 256 : index
    %swap3A_82 = arith.constant 0 : index
    %swap3A_83 = vector.load %arg1[%swap3A_81, %swap3A_82] : memref<2048x1xi32, #tpu.memory_space<vmem>>, vector<256x1xi32>
    tpu.vector_store %arg1[%swap3A_81, %swap3A_82], %convert_element_type3A_80 {strides = array<i32>} : memref<2048x1xi32, #tpu.memory_space<vmem>>, vector<256x1xi32>,
    %reduce_sum3A_84 = arith.constant dense<0.000000e+00> : vector<64xf32>
    %reduce_sum3A_85 = vector.multi_reduction <add>, %slice3A_66, %reduce_sum3A_84 [0] : vector<256x64xf32> to vector<64xf32>
    %broadcast_in_dim3A_86 = vector.shape_cast %reduce_sum3A_85 : vector<64xf32> to vector<1x64xf32>
    %add3A_87 = arith.addf %add3A_65, %broadcast_in_dim3A_86 : vector<1x64xf32>
    %slice3A_88 = vector.extract_strided_slice %mul3A {offsets = [512, 0], sizes = [256, 64], strides = [1, 1]} : vector<2048x64xf32> to vector<256x64xf32>
    %dot_general3A_89 = arith.constant dense<0.000000e+00> : vector<256x64xf32>
    %dot_general3A_90 = tpu.matmul %convert_element_type3A_42, %slice3A_88, %dot_general3A_89 {dimension_numbers = #tpu.dot_dimension_numbers<[1], [0], [0], [1], [0, 0, 1, 1], [], []>, transpose_lhs_hint = false} : vector<256x256xf32>, vector<256x64xf32>, vector<256x64xf32> -> vector<256x64xf32>
    %add3A_91 = vector.broadcast %add3A_87 : vector<1x64xf32> to vector<256x64xf32>
    %add3A_92 = arith.addf %dot_general3A_90, %add3A_91 : vector<256x64xf32>
    %add3A_93 = vector.broadcast %dot_general3A_37 : vector<1x64xf32> to vector<256x64xf32>
    %add3A_94 = arith.addf %add3A_93, %add3A_92 : vector<256x64xf32>
    %mul3A_95 = arith.mulf %slice3A_88, %add3A_94 : vector<256x64xf32>
    %reduce_sum3A_96 = arith.constant dense<0.000000e+00> : vector<256xf32>
    %reduce_sum3A_97 = vector.multi_reduction <add>, %mul3A_95, %reduce_sum3A_96 [1] : vector<256x64xf32> to vector<256xf32>
    %broadcast_in_dim3A_98 = vector.shape_cast %reduce_sum3A_97 : vector<256xf32> to vector<256x1xf32>
    %sub3A_99 = arith.constant 1.000000e+00 : f32
    %sub3A_100 = vector.broadcast %sub3A_99 : f32 to vector<256x1xf32>
    %sub3A_101 = arith.subf %broadcast_in_dim3A_98, %sub3A_100 : vector<256x1xf32>
    %convert_element_type3A_102 = arith.fptosi %sub3A_101 : vector<256x1xf32> to vector<256x1xi32>
    %swap3A_103 = arith.constant 512 : index
    %swap3A_104 = arith.constant 0 : index
    %swap3A_105 = vector.load %arg1[%swap3A_103, %swap3A_104] : memref<2048x1xi32, #tpu.memory_space<vmem>>, vector<256x1xi32>
    tpu.vector_store %arg1[%swap3A_103, %swap3A_104], %convert_element_type3A_102 {strides = array<i32>} : memref<2048x1xi32, #tpu.memory_space<vmem>>, vector<256x1xi32>,
    %reduce_sum3A_106 = arith.constant dense<0.000000e+00> : vector<64xf32>
    %reduce_sum3A_107 = vector.multi_reduction <add>, %slice3A_88, %reduce_sum3A_106 [0] : vector<256x64xf32> to vector<64xf32>
    %broadcast_in_dim3A_108 = vector.shape_cast %reduce_sum3A_107 : vector<64xf32> to vector<1x64xf32>
    %add3A_109 = arith.addf %add3A_87, %broadcast_in_dim3A_108 : vector<1x64xf32>
    %slice3A_110 = vector.extract_strided_slice %mul3A {offsets = [768, 0], sizes = [256, 64], strides = [1, 1]} : vector<2048x64xf32> to vector<256x64xf32>
    %dot_general3A_111 = arith.constant dense<0.000000e+00> : vector<256x64xf32>
    %dot_general3A_112 = tpu.matmul %convert_element_type3A_42, %slice3A_110, %dot_general3A_111 {dimension_numbers = #tpu.dot_dimension_numbers<[1], [0], [0], [1], [0, 0, 1, 1], [], []>, transpose_lhs_hint = false} : vector<256x256xf32>, vector<256x64xf32>, vector<256x64xf32> -> vector<256x64xf32>
    %add3A_113 = vector.broadcast %add3A_109 : vector<1x64xf32> to vector<256x64xf32>
    %add3A_114 = arith.addf %dot_general3A_112, %add3A_113 : vector<256x64xf32>
    %add3A_115 = vector.broadcast %dot_general3A_37 : vector<1x64xf32> to vector<256x64xf32>
    %add3A_116 = arith.addf %add3A_115, %add3A_114 : vector<256x64xf32>
    %mul3A_117 = arith.mulf %slice3A_110, %add3A_116 : vector<256x64xf32>
    %reduce_sum3A_118 = arith.constant dense<0.000000e+00> : vector<256xf32>
    %reduce_sum3A_119 = vector.multi_reduction <add>, %mul3A_117, %reduce_sum3A_118 [1] : vector<256x64xf32> to vector<256xf32>
    %broadcast_in_dim3A_120 = vector.shape_cast %reduce_sum3A_119 : vector<256xf32> to vector<256x1xf32>
    %sub3A_121 = arith.constant 1.000000e+00 : f32
    %sub3A_122 = vector.broadcast %sub3A_121 : f32 to vector<256x1xf32>
    %sub3A_123 = arith.subf %broadcast_in_dim3A_120, %sub3A_122 : vector<256x1xf32>
    %convert_element_type3A_124 = arith.fptosi %sub3A_123 : vector<256x1xf32> to vector<256x1xi32>
    %swap3A_125 = arith.constant 768 : index
    %swap3A_126 = arith.constant 0 : index
    %swap3A_127 = vector.load %arg1[%swap3A_125, %swap3A_126] : memref<2048x1xi32, #tpu.memory_space<vmem>>, vector<256x1xi32>
    tpu.vector_store %arg1[%swap3A_125, %swap3A_126], %convert_element_type3A_124 {strides = array<i32>} : memref<2048x1xi32, #tpu.memory_space<vmem>>, vector<256x1xi32>,
    %reduce_sum3A_128 = arith.constant dense<0.000000e+00> : vector<64xf32>
    %reduce_sum3A_129 = vector.multi_reduction <add>, %slice3A_110, %reduce_sum3A_128 [0] : vector<256x64xf32> to vector<64xf32>
    %broadcast_in_dim3A_130 = vector.shape_cast %reduce_sum3A_129 : vector<64xf32> to vector<1x64xf32>
    %add3A_131 = arith.addf %add3A_109, %broadcast_in_dim3A_130 : vector<1x64xf32>
    %slice3A_132 = vector.extract_strided_slice %mul3A {offsets = [1024, 0], sizes = [256, 64], strides = [1, 1]} : vector<2048x64xf32> to vector<256x64xf32>
    %dot_general3A_133 = arith.constant dense<0.000000e+00> : vector<256x64xf32>
    %dot_general3A_134 = tpu.matmul %convert_element_type3A_42, %slice3A_132, %dot_general3A_133 {dimension_numbers = #tpu.dot_dimension_numbers<[1], [0], [0], [1], [0, 0, 1, 1], [], []>, transpose_lhs_hint = false} : vector<256x256xf32>, vector<256x64xf32>, vector<256x64xf32> -> vector<256x64xf32>
    %add3A_135 = vector.broadcast %add3A_131 : vector<1x64xf32> to vector<256x64xf32>
    %add3A_136 = arith.addf %dot_general3A_134, %add3A_135 : vector<256x64xf32>
    %add3A_137 = vector.broadcast %dot_general3A_37 : vector<1x64xf32> to vector<256x64xf32>
    %add3A_138 = arith.addf %add3A_137, %add3A_136 : vector<256x64xf32>
    %mul3A_139 = arith.mulf %slice3A_132, %add3A_138 : vector<256x64xf32>
    %reduce_sum3A_140 = arith.constant dense<0.000000e+00> : vector<256xf32>
    %reduce_sum3A_141 = vector.multi_reduction <add>, %mul3A_139, %reduce_sum3A_140 [1] : vector<256x64xf32> to vector<256xf32>
    %broadcast_in_dim3A_142 = vector.shape_cast %reduce_sum3A_141 : vector<256xf32> to vector<256x1xf32>
    %sub3A_143 = arith.constant 1.000000e+00 : f32
    %sub3A_144 = vector.broadcast %sub3A_143 : f32 to vector<256x1xf32>
    %sub3A_145 = arith.subf %broadcast_in_dim3A_142, %sub3A_144 : vector<256x1xf32>
    %convert_element_type3A_146 = arith.fptosi %sub3A_145 : vector<256x1xf32> to vector<256x1xi32>
    %swap3A_147 = arith.constant 1024 : index
    %swap3A_148 = arith.constant 0 : index
    %swap3A_149 = vector.load %arg1[%swap3A_147, %swap3A_148] : memref<2048x1xi32, #tpu.memory_space<vmem>>, vector<256x1xi32>
    tpu.vector_store %arg1[%swap3A_147, %swap3A_148], %convert_element_type3A_146 {strides = array<i32>} : memref<2048x1xi32, #tpu.memory_space<vmem>>, vector<256x1xi32>,
    %reduce_sum3A_150 = arith.constant dense<0.000000e+00> : vector<64xf32>
    %reduce_sum3A_151 = vector.multi_reduction <add>, %slice3A_132, %reduce_sum3A_150 [0] : vector<256x64xf32> to vector<64xf32>
    %broadcast_in_dim3A_152 = vector.shape_cast %reduce_sum3A_151 : vector<64xf32> to vector<1x64xf32>
    %add3A_153 = arith.addf %add3A_131, %broadcast_in_dim3A_152 : vector<1x64xf32>
    %slice3A_154 = vector.extract_strided_slice %mul3A {offsets = [1280, 0], sizes = [256, 64], strides = [1, 1]} : vector<2048x64xf32> to vector<256x64xf32>
    %dot_general3A_155 = arith.constant dense<0.000000e+00> : vector<256x64xf32>
    %dot_general3A_156 = tpu.matmul %convert_element_type3A_42, %slice3A_154, %dot_general3A_155 {dimension_numbers = #tpu.dot_dimension_numbers<[1], [0], [0], [1], [0, 0, 1, 1], [], []>, transpose_lhs_hint = false} : vector<256x256xf32>, vector<256x64xf32>, vector<256x64xf32> -> vector<256x64xf32>
    %add3A_157 = vector.broadcast %add3A_153 : vector<1x64xf32> to vector<256x64xf32>
    %add3A_158 = arith.addf %dot_general3A_156, %add3A_157 : vector<256x64xf32>
    %add3A_159 = vector.broadcast %dot_general3A_37 : vector<1x64xf32> to vector<256x64xf32>
    %add3A_160 = arith.addf %add3A_159, %add3A_158 : vector<256x64xf32>
    %mul3A_161 = arith.mulf %slice3A_154, %add3A_160 : vector<256x64xf32>
    %reduce_sum3A_162 = arith.constant dense<0.000000e+00> : vector<256xf32>
    %reduce_sum3A_163 = vector.multi_reduction <add>, %mul3A_161, %reduce_sum3A_162 [1] : vector<256x64xf32> to vector<256xf32>
    %broadcast_in_dim3A_164 = vector.shape_cast %reduce_sum3A_163 : vector<256xf32> to vector<256x1xf32>
    %sub3A_165 = arith.constant 1.000000e+00 : f32
    %sub3A_166 = vector.broadcast %sub3A_165 : f32 to vector<256x1xf32>
    %sub3A_167 = arith.subf %broadcast_in_dim3A_164, %sub3A_166 : vector<256x1xf32>
    %convert_element_type3A_168 = arith.fptosi %sub3A_167 : vector<256x1xf32> to vector<256x1xi32>
    %swap3A_169 = arith.constant 1280 : index
    %swap3A_170 = arith.constant 0 : index
    %swap3A_171 = vector.load %arg1[%swap3A_169, %swap3A_170] : memref<2048x1xi32, #tpu.memory_space<vmem>>, vector<256x1xi32>
    tpu.vector_store %arg1[%swap3A_169, %swap3A_170], %convert_element_type3A_168 {strides = array<i32>} : memref<2048x1xi32, #tpu.memory_space<vmem>>, vector<256x1xi32>,
    %reduce_sum3A_172 = arith.constant dense<0.000000e+00> : vector<64xf32>
    %reduce_sum3A_173 = vector.multi_reduction <add>, %slice3A_154, %reduce_sum3A_172 [0] : vector<256x64xf32> to vector<64xf32>
    %broadcast_in_dim3A_174 = vector.shape_cast %reduce_sum3A_173 : vector<64xf32> to vector<1x64xf32>
    %add3A_175 = arith.addf %add3A_153, %broadcast_in_dim3A_174 : vector<1x64xf32>
    %slice3A_176 = vector.extract_strided_slice %mul3A {offsets = [1536, 0], sizes = [256, 64], strides = [1, 1]} : vector<2048x64xf32> to vector<256x64xf32>
    %dot_general3A_177 = arith.constant dense<0.000000e+00> : vector<256x64xf32>
    %dot_general3A_178 = tpu.matmul %convert_element_type3A_42, %slice3A_176, %dot_general3A_177 {dimension_numbers = #tpu.dot_dimension_numbers<[1], [0], [0], [1], [0, 0, 1, 1], [], []>, transpose_lhs_hint = false} : vector<256x256xf32>, vector<256x64xf32>, vector<256x64xf32> -> vector<256x64xf32>
    %add3A_179 = vector.broadcast %add3A_175 : vector<1x64xf32> to vector<256x64xf32>
    %add3A_180 = arith.addf %dot_general3A_178, %add3A_179 : vector<256x64xf32>
    %add3A_181 = vector.broadcast %dot_general3A_37 : vector<1x64xf32> to vector<256x64xf32>
    %add3A_182 = arith.addf %add3A_181, %add3A_180 : vector<256x64xf32>
    %mul3A_183 = arith.mulf %slice3A_176, %add3A_182 : vector<256x64xf32>
    %reduce_sum3A_184 = arith.constant dense<0.000000e+00> : vector<256xf32>
    %reduce_sum3A_185 = vector.multi_reduction <add>, %mul3A_183, %reduce_sum3A_184 [1] : vector<256x64xf32> to vector<256xf32>
    %broadcast_in_dim3A_186 = vector.shape_cast %reduce_sum3A_185 : vector<256xf32> to vector<256x1xf32>
    %sub3A_187 = arith.constant 1.000000e+00 : f32
    %sub3A_188 = vector.broadcast %sub3A_187 : f32 to vector<256x1xf32>
    %sub3A_189 = arith.subf %broadcast_in_dim3A_186, %sub3A_188 : vector<256x1xf32>
    %convert_element_type3A_190 = arith.fptosi %sub3A_189 : vector<256x1xf32> to vector<256x1xi32>
    %swap3A_191 = arith.constant 1536 : index
    %swap3A_192 = arith.constant 0 : index
    %swap3A_193 = vector.load %arg1[%swap3A_191, %swap3A_192] : memref<2048x1xi32, #tpu.memory_space<vmem>>, vector<256x1xi32>
    tpu.vector_store %arg1[%swap3A_191, %swap3A_192], %convert_element_type3A_190 {strides = array<i32>} : memref<2048x1xi32, #tpu.memory_space<vmem>>, vector<256x1xi32>,
    %reduce_sum3A_194 = arith.constant dense<0.000000e+00> : vector<64xf32>
    %reduce_sum3A_195 = vector.multi_reduction <add>, %slice3A_176, %reduce_sum3A_194 [0] : vector<256x64xf32> to vector<64xf32>
    %broadcast_in_dim3A_196 = vector.shape_cast %reduce_sum3A_195 : vector<64xf32> to vector<1x64xf32>
    %add3A_197 = arith.addf %add3A_175, %broadcast_in_dim3A_196 : vector<1x64xf32>
    %slice3A_198 = vector.extract_strided_slice %mul3A {offsets = [1792, 0], sizes = [256, 64], strides = [1, 1]} : vector<2048x64xf32> to vector<256x64xf32>
    %dot_general3A_199 = arith.constant dense<0.000000e+00> : vector<256x64xf32>
    %dot_general3A_200 = tpu.matmul %convert_element_type3A_42, %slice3A_198, %dot_general3A_199 {dimension_numbers = #tpu.dot_dimension_numbers<[1], [0], [0], [1], [0, 0, 1, 1], [], []>, transpose_lhs_hint = false} : vector<256x256xf32>, vector<256x64xf32>, vector<256x64xf32> -> vector<256x64xf32>
    %add3A_201 = vector.broadcast %add3A_197 : vector<1x64xf32> to vector<256x64xf32>
    %add3A_202 = arith.addf %dot_general3A_200, %add3A_201 : vector<256x64xf32>
    %add3A_203 = vector.broadcast %dot_general3A_37 : vector<1x64xf32> to vector<256x64xf32>
    %add3A_204 = arith.addf %add3A_203, %add3A_202 : vector<256x64xf32>
    %mul3A_205 = arith.mulf %slice3A_198, %add3A_204 : vector<256x64xf32>
    %reduce_sum3A_206 = arith.constant dense<0.000000e+00> : vector<256xf32>
    %reduce_sum3A_207 = vector.multi_reduction <add>, %mul3A_205, %reduce_sum3A_206 [1] : vector<256x64xf32> to vector<256xf32>
    %broadcast_in_dim3A_208 = vector.shape_cast %reduce_sum3A_207 : vector<256xf32> to vector<256x1xf32>
    %sub3A_209 = arith.constant 1.000000e+00 : f32
    %sub3A_210 = vector.broadcast %sub3A_209 : f32 to vector<256x1xf32>
    %sub3A_211 = arith.subf %broadcast_in_dim3A_208, %sub3A_210 : vector<256x1xf32>
    %convert_element_type3A_212 = arith.fptosi %sub3A_211 : vector<256x1xf32> to vector<256x1xi32>
    %swap3A_213 = arith.constant 1792 : index
    %swap3A_214 = arith.constant 0 : index
    %swap3A_215 = vector.load %arg1[%swap3A_213, %swap3A_214] : memref<2048x1xi32, #tpu.memory_space<vmem>>, vector<256x1xi32>
    tpu.vector_store %arg1[%swap3A_213, %swap3A_214], %convert_element_type3A_212 {strides = array<i32>} : memref<2048x1xi32, #tpu.memory_space<vmem>>, vector<256x1xi32>,
    %convert_element_type3A_216 = arith.fptosi %dot_general3A_37 : vector<1x64xf32> to vector<1x64xi32>
    %concatenate3A = tpu.concatenate %convert_element_type3A_216, %convert_element_type3A_26 in 1 : vector<1x64xi32>, vector<1x64xi32> -> vector<1x128xi32>
    %broadcast_in_dim3A_217 = vector.shape_cast %concatenate3A : vector<1x128xi32> to vector<1x128xi32>
    %broadcast_in_dim3A_218 = vector.broadcast %broadcast_in_dim3A_217 : vector<1x128xi32> to vector<8x128xi32>
    %swap3A_219 = arith.constant 0 : index
    %swap3A_220 = arith.constant 0 : index
    %swap3A_221 = vector.load %arg3[%swap3A_219, %swap3A_220] : memref<8x128xi32, #tpu.memory_space<vmem>>, vector<8x128xi32>
    tpu.vector_store %arg3[%swap3A_219, %swap3A_220], %broadcast_in_dim3A_218 {strides = array<i32>} : memref<8x128xi32, #tpu.memory_space<vmem>>, vector<8x128xi32>,
    return
  }
}

module attributes {stable_mosaic.version = 14 : i64} {
  func.func @_ffn_body(%arg0: i32, %arg1: memref<128xi32, #tpu.memory_space<smem>>, %arg2: memref<2560x768xf32, #tpu.memory_space<vmem>>, %arg3: memref<2560x128xf32, #tpu.memory_space<vmem>>, %arg4: memref<1x768x1024xf32, #tpu.memory_space<vmem>>, %arg5: memref<1x768x1024xf32, #tpu.memory_space<vmem>>, %arg6: memref<1x1024x768xf32, #tpu.memory_space<vmem>>, %arg7: memref<2560x768xf32, #tpu.memory_space<vmem>>) attributes {dimension_semantics = [#tpu.dimension_semantics<arbitrary>], iteration_bounds = array<i64: 64>, scalar_prefetch = 0 : i64, scratch_operands = 0 : i64, tpu.core_type = #tpu.core_type<tc>, window_params = [{transform_indices = @transform_0, window_bounds = array<i64: 128>}, {pipeline_mode = #tpu.pipeline_mode<synchronous>, transform_indices = @transform_1, window_bounds = array<i64: 2560, 768>}, {pipeline_mode = #tpu.pipeline_mode<synchronous>, transform_indices = @transform_2, window_bounds = array<i64: 2560, 128>}, {transform_indices = @transform_3, window_bounds = array<i64: 1, 768, 1024>}, {transform_indices = @transform_4, window_bounds = array<i64: 1, 768, 1024>}, {transform_indices = @transform_5, window_bounds = array<i64: 1, 1024, 768>}, {pipeline_mode = #tpu.pipeline_mode<synchronous>, transform_indices = @transform_6, window_bounds = array<i64: 2560, 768>}]} {
    %mul3A = arith.constant 1 : i32
    %mul3A_0 = arith.muli %arg0, %mul3A : i32
    %add3A = arith.constant 0 : i32
    %add3A_1 = arith.addi %mul3A_0, %add3A : i32
    %get3A = arith.index_cast %add3A_1 : i32 to index
    %get3A_2 = memref.load %arg1[%get3A] : memref<128xi32, #tpu.memory_space<smem>>
    %add3A_3 = arith.constant 64 : i32
    %add3A_4 = arith.addi %add3A_3, %add3A_1 : i32
    %get3A_5 = arith.index_cast %add3A_4 : i32 to index
    %get3A_6 = memref.load %arg1[%get3A_5] : memref<128xi32, #tpu.memory_space<smem>>
    %get3A_7 = arith.constant 0 : index
    %get3A_8 = arith.constant 0 : index
    %get3A_9 = arith.constant 0 : index
    %get3A_10 = vector.load %arg4[%get3A_7, %get3A_8, %get3A_9] : memref<1x768x1024xf32, #tpu.memory_space<vmem>>, vector<1x768x1024xf32>
    %get3A_11 = vector.shape_cast %get3A_10 : vector<1x768x1024xf32> to vector<768x1024xf32>
    %get3A_12 = arith.constant 0 : index
    %get3A_13 = arith.constant 0 : index
    %get3A_14 = arith.constant 0 : index
    %get3A_15 = vector.load %arg5[%get3A_12, %get3A_13, %get3A_14] : memref<1x768x1024xf32, #tpu.memory_space<vmem>>, vector<1x768x1024xf32>
    %get3A_16 = vector.shape_cast %get3A_15 : vector<1x768x1024xf32> to vector<768x1024xf32>
    %get3A_17 = arith.constant 0 : index
    %get3A_18 = arith.constant 0 : index
    %get3A_19 = arith.constant 0 : index
    %get3A_20 = vector.load %arg6[%get3A_17, %get3A_18, %get3A_19] : memref<1x1024x768xf32, #tpu.memory_space<vmem>>, vector<1x1024x768xf32>
    %get3A_21 = vector.shape_cast %get3A_20 : vector<1x1024x768xf32> to vector<1024x768xf32>
    %add3A_22 = arith.constant 64 : i32
    %add3A_23 = arith.addi %get3A_6, %add3A_22 : i32
    %sub3A = arith.constant 1 : i32
    %sub3A_24 = arith.subi %add3A_23, %sub3A : i32
    %jit3A = arith.constant 64 : i32
    %div3A = arith.divsi %sub3A_24, %jit3A : i32
    %sign3A = arith.constant 0 : i32
    %sign3A_25 = arith.cmpi sgt, %sub3A_24, %sign3A : i32
    %sign3A_26 = arith.extui %sign3A_25 : i1 to i32
    %sign3A_27 = arith.constant 0 : i32
    %sign3A_28 = arith.cmpi slt, %sub3A_24, %sign3A_27 : i32
    %sign3A_29 = arith.extui %sign3A_28 : i1 to i32
    %sign3A_30 = arith.subi %sign3A_26, %sign3A_29 : i32
    %sign3A_31 = arith.constant 0 : i32
    %sign3A_32 = arith.cmpi sgt, %jit3A, %sign3A_31 : i32
    %sign3A_33 = arith.extui %sign3A_32 : i1 to i32
    %sign3A_34 = arith.constant 0 : i32
    %sign3A_35 = arith.cmpi slt, %jit3A, %sign3A_34 : i32
    %sign3A_36 = arith.extui %sign3A_35 : i1 to i32
    %sign3A_37 = arith.subi %sign3A_33, %sign3A_36 : i32
    %ne3A = arith.cmpi ne, %sign3A_30, %sign3A_37 : i32
    %rem3A = arith.remsi %sub3A_24, %jit3A : i32
    %ne3A_38 = arith.constant 0 : i32
    %ne3A_39 = arith.cmpi ne, %rem3A, %ne3A_38 : i32
    %and3A = arith.andi %ne3A, %ne3A_39 : i1
    %sub3A_40 = arith.constant 1 : i32
    %sub3A_41 = arith.subi %div3A, %sub3A_40 : i32
    %select_n3A = arith.select %and3A, %sub3A_41, %div3A : i32
    %while3A = arith.constant 0 : i32
    %while3A_42 = arith.constant 0 : i32
    %while3A_43 = arith.subi %select_n3A, %while3A_42 : i32
    %while3A_44 = arith.addi %while3A_42, %while3A_43 : i32
    %while3A_45 = arith.constant 1 : i32
    %while3A_46 = arith.divsi %while3A_43, %while3A_45 : i32
    %while3A_47 = arith.muli %while3A_46, %while3A_45 : i32
    %while3A_48 = arith.addi %while3A_42, %while3A_47 : i32
    %while3A_49 = arith.constant 1 : i32
    scf.for %while3A_51 = %while3A_42 to %while3A_48 step %while3A_49  : i32 {
      %mul3A_52 = arith.constant 64 : i32
      %mul3A_53 = arith.muli %while3A_51, %mul3A_52 : i32
      %add3A_54 = arith.addi %get3A_2, %mul3A_53 : i32
      %multiple_of3A = tpu.assume_multiple %add3A_54, 8 : i32
      %get3A_55 = arith.index_cast %multiple_of3A : i32 to index
      %get3A_56 = arith.constant 0 : index
      %get3A_57 = vector.load %arg2[%get3A_55, %get3A_56] : memref<2560x768xf32, #tpu.memory_space<vmem>>, vector<64x768xf32>
      %dot_general3A = arith.constant dense<0.000000e+00> : vector<64x1024xf32>
      %dot_general3A_58 = tpu.matmul %get3A_57, %get3A_11, %dot_general3A {dimension_numbers = #tpu.dot_dimension_numbers<[1], [0], [0], [1], [0, 0, 1, 1], [], []>, transpose_lhs_hint = false} : vector<64x768xf32>, vector<768x1024xf32>, vector<64x1024xf32> -> vector<64x1024xf32>
      %dot_general3A_59 = arith.constant dense<0.000000e+00> : vector<64x1024xf32>
      %dot_general3A_60 = tpu.matmul %get3A_57, %get3A_16, %dot_general3A_59 {dimension_numbers = #tpu.dot_dimension_numbers<[1], [0], [0], [1], [0, 0, 1, 1], [], []>, transpose_lhs_hint = false} : vector<64x768xf32>, vector<768x1024xf32>, vector<64x1024xf32> -> vector<64x1024xf32>
      %get3A_61 = arith.index_cast %multiple_of3A : i32 to index
      %get3A_62 = arith.constant 0 : index
      %get3A_63 = vector.load %arg3[%get3A_61, %get3A_62] : memref<2560x128xf32, #tpu.memory_space<vmem>>, vector<64x1xf32>
      %neg3A = arith.constant 0.000000e+00 : f32
      %neg3A_64 = vector.broadcast %neg3A : f32 to vector<64x1024xf32>
      %neg3A_65 = arith.subf %neg3A_64, %dot_general3A_58 : vector<64x1024xf32>
      %exp3A = math.exp %neg3A_65 : vector<64x1024xf32>
      %add3A_66 = arith.constant 1.000000e+00 : f32
      %add3A_67 = vector.broadcast %add3A_66 : f32 to vector<64x1024xf32>
      %add3A_68 = arith.addf %add3A_67, %exp3A : vector<64x1024xf32>
      %div3A_69 = arith.constant 1.000000e+00 : f32
      %div3A_70 = vector.broadcast %div3A_69 : f32 to vector<64x1024xf32>
      %div3A_71 = arith.divf %div3A_70, %add3A_68 : vector<64x1024xf32>
      %mul3A_72 = arith.mulf %dot_general3A_58, %div3A_71 : vector<64x1024xf32>
      %mul3A_73 = arith.mulf %mul3A_72, %dot_general3A_60 : vector<64x1024xf32>
      %iota3A = tpu.iota {dimensions = array<i32: 0>} : vector<64x1024xi32>
      %mul3A_74 = arith.constant 64 : i32
      %mul3A_75 = arith.muli %while3A_51, %mul3A_74 : i32
      %add3A_76 = vector.broadcast %mul3A_75 : i32 to vector<64x1024xi32>
      %add3A_77 = arith.addi %iota3A, %add3A_76 : vector<64x1024xi32>
      %lt3A = vector.broadcast %get3A_6 : i32 to vector<64x1024xi32>
      %lt3A_78 = arith.cmpi slt, %add3A_77, %lt3A : vector<64x1024xi32>
      %jit3A_79 = arith.constant 0.000000e+00 : f32
      %broadcast_in_dim3A = vector.broadcast %jit3A_79 : f32 to vector<64x1024xf32>
      %select_n3A_80 = arith.select %lt3A_78, %mul3A_73, %broadcast_in_dim3A : vector<64x1024xi1>, vector<64x1024xf32>
      %dot_general3A_81 = arith.constant dense<0.000000e+00> : vector<64x768xf32>
      %dot_general3A_82 = tpu.matmul %select_n3A_80, %get3A_21, %dot_general3A_81 {dimension_numbers = #tpu.dot_dimension_numbers<[1], [0], [0], [1], [0, 0, 1, 1], [], []>, transpose_lhs_hint = false} : vector<64x1024xf32>, vector<1024x768xf32>, vector<64x768xf32> -> vector<64x768xf32>
      %mul3A_83 = vector.broadcast %get3A_63 : vector<64x1xf32> to vector<64x768xf32>
      %mul3A_84 = arith.mulf %dot_general3A_82, %mul3A_83 : vector<64x768xf32>
      %swap3A = arith.index_cast %multiple_of3A : i32 to index
      %swap3A_85 = arith.constant 0 : index
      %swap3A_86 = vector.load %arg7[%swap3A, %swap3A_85] : memref<2560x768xf32, #tpu.memory_space<vmem>>, vector<64x768xf32>
      tpu.vector_store %arg7[%swap3A, %swap3A_85], %mul3A_84 {strides = array<i32>} : memref<2560x768xf32, #tpu.memory_space<vmem>>, vector<64x768xf32>,
    }
    %while3A_50 = arith.constant 1 : i32
    scf.for %while3A_51 = %while3A_48 to %while3A_44 step %while3A_50  : i32 {
      %mul3A_52 = arith.constant 64 : i32
      %mul3A_53 = arith.muli %while3A_51, %mul3A_52 : i32
      %add3A_54 = arith.addi %get3A_2, %mul3A_53 : i32
      %multiple_of3A = tpu.assume_multiple %add3A_54, 8 : i32
      %get3A_55 = arith.index_cast %multiple_of3A : i32 to index
      %get3A_56 = arith.constant 0 : index
      %get3A_57 = vector.load %arg2[%get3A_55, %get3A_56] : memref<2560x768xf32, #tpu.memory_space<vmem>>, vector<64x768xf32>
      %dot_general3A = arith.constant dense<0.000000e+00> : vector<64x1024xf32>
      %dot_general3A_58 = tpu.matmul %get3A_57, %get3A_11, %dot_general3A {dimension_numbers = #tpu.dot_dimension_numbers<[1], [0], [0], [1], [0, 0, 1, 1], [], []>, transpose_lhs_hint = false} : vector<64x768xf32>, vector<768x1024xf32>, vector<64x1024xf32> -> vector<64x1024xf32>
      %dot_general3A_59 = arith.constant dense<0.000000e+00> : vector<64x1024xf32>
      %dot_general3A_60 = tpu.matmul %get3A_57, %get3A_16, %dot_general3A_59 {dimension_numbers = #tpu.dot_dimension_numbers<[1], [0], [0], [1], [0, 0, 1, 1], [], []>, transpose_lhs_hint = false} : vector<64x768xf32>, vector<768x1024xf32>, vector<64x1024xf32> -> vector<64x1024xf32>
      %get3A_61 = arith.index_cast %multiple_of3A : i32 to index
      %get3A_62 = arith.constant 0 : index
      %get3A_63 = vector.load %arg3[%get3A_61, %get3A_62] : memref<2560x128xf32, #tpu.memory_space<vmem>>, vector<64x1xf32>
      %neg3A = arith.constant 0.000000e+00 : f32
      %neg3A_64 = vector.broadcast %neg3A : f32 to vector<64x1024xf32>
      %neg3A_65 = arith.subf %neg3A_64, %dot_general3A_58 : vector<64x1024xf32>
      %exp3A = math.exp %neg3A_65 : vector<64x1024xf32>
      %add3A_66 = arith.constant 1.000000e+00 : f32
      %add3A_67 = vector.broadcast %add3A_66 : f32 to vector<64x1024xf32>
      %add3A_68 = arith.addf %add3A_67, %exp3A : vector<64x1024xf32>
      %div3A_69 = arith.constant 1.000000e+00 : f32
      %div3A_70 = vector.broadcast %div3A_69 : f32 to vector<64x1024xf32>
      %div3A_71 = arith.divf %div3A_70, %add3A_68 : vector<64x1024xf32>
      %mul3A_72 = arith.mulf %dot_general3A_58, %div3A_71 : vector<64x1024xf32>
      %mul3A_73 = arith.mulf %mul3A_72, %dot_general3A_60 : vector<64x1024xf32>
      %iota3A = tpu.iota {dimensions = array<i32: 0>} : vector<64x1024xi32>
      %mul3A_74 = arith.constant 64 : i32
      %mul3A_75 = arith.muli %while3A_51, %mul3A_74 : i32
      %add3A_76 = vector.broadcast %mul3A_75 : i32 to vector<64x1024xi32>
      %add3A_77 = arith.addi %iota3A, %add3A_76 : vector<64x1024xi32>
      %lt3A = vector.broadcast %get3A_6 : i32 to vector<64x1024xi32>
      %lt3A_78 = arith.cmpi slt, %add3A_77, %lt3A : vector<64x1024xi32>
      %jit3A_79 = arith.constant 0.000000e+00 : f32
      %broadcast_in_dim3A = vector.broadcast %jit3A_79 : f32 to vector<64x1024xf32>
      %select_n3A_80 = arith.select %lt3A_78, %mul3A_73, %broadcast_in_dim3A : vector<64x1024xi1>, vector<64x1024xf32>
      %dot_general3A_81 = arith.constant dense<0.000000e+00> : vector<64x768xf32>
      %dot_general3A_82 = tpu.matmul %select_n3A_80, %get3A_21, %dot_general3A_81 {dimension_numbers = #tpu.dot_dimension_numbers<[1], [0], [0], [1], [0, 0, 1, 1], [], []>, transpose_lhs_hint = false} : vector<64x1024xf32>, vector<1024x768xf32>, vector<64x768xf32> -> vector<64x768xf32>
      %mul3A_83 = vector.broadcast %get3A_63 : vector<64x1xf32> to vector<64x768xf32>
      %mul3A_84 = arith.mulf %dot_general3A_82, %mul3A_83 : vector<64x768xf32>
      %swap3A = arith.index_cast %multiple_of3A : i32 to index
      %swap3A_85 = arith.constant 0 : index
      %swap3A_86 = vector.load %arg7[%swap3A, %swap3A_85] : memref<2560x768xf32, #tpu.memory_space<vmem>>, vector<64x768xf32>
      tpu.vector_store %arg7[%swap3A, %swap3A_85], %mul3A_84 {strides = array<i32>} : memref<2560x768xf32, #tpu.memory_space<vmem>>, vector<64x768xf32>,
    }
    return
  }
  func.func @transform_0(%arg0: i32) -> i32 {
    %c0_i32 = arith.constant 0 : i32
    %c0_i32_0 = arith.constant 0 : i32
    return %c0_i32 : i32
  }
  func.func @transform_1(%arg0: i32) -> (i32, i32) {
    %c0_i32 = arith.constant 0 : i32
    %c0_i32_0 = arith.constant 0 : i32
    %c0_i32_1 = arith.constant 0 : i32
    return %c0_i32, %c0_i32_0 : i32, i32
  }
  func.func @transform_2(%arg0: i32) -> (i32, i32) {
    %c0_i32 = arith.constant 0 : i32
    %c0_i32_0 = arith.constant 0 : i32
    %c0_i32_1 = arith.constant 0 : i32
    return %c0_i32, %c0_i32_0 : i32, i32
  }
  func.func @transform_3(%arg0: i32) -> (i32, i32, i32) {
    %c0_i32 = arith.constant 0 : i32
    %c0_i32_0 = arith.constant 0 : i32
    %c0_i32_1 = arith.constant 0 : i32
    return %arg0, %c0_i32, %c0_i32_0 : i32, i32, i32
  }
  func.func @transform_4(%arg0: i32) -> (i32, i32, i32) {
    %c0_i32 = arith.constant 0 : i32
    %c0_i32_0 = arith.constant 0 : i32
    %c0_i32_1 = arith.constant 0 : i32
    return %arg0, %c0_i32, %c0_i32_0 : i32, i32, i32
  }
  func.func @transform_5(%arg0: i32) -> (i32, i32, i32) {
    %c0_i32 = arith.constant 0 : i32
    %c0_i32_0 = arith.constant 0 : i32
    %c0_i32_1 = arith.constant 0 : i32
    return %arg0, %c0_i32, %c0_i32_0 : i32, i32, i32
  }
  func.func @transform_6(%arg0: i32) -> (i32, i32) {
    %c0_i32 = arith.constant 0 : i32
    %c0_i32_0 = arith.constant 0 : i32
    %c0_i32_1 = arith.constant 0 : i32
    return %c0_i32, %c0_i32_0 : i32, i32
  }
}

</mosaic_0001>

<sc_bundles>
// kernel: kernel.6.cloned.1.call-start
scs
__scs_entry_jumppad:
0x0: {  	(pc) =	sbr.rel $0x88, $3  }
0x1: {  	(tag) =	ssettag $0x0;
	lr =	simm.s32 $0x1  }
0x2: {  	[smem:$0x3F9C] =	sst lr;
	_ =	strace $0xD0000000  }
0x3: {  	_ = 	snop  }
0x4: {  	_ = 	snop  }
0x5: {  	_ = 	snop  }
0x6: {  	_ = 	snop  }
0x7: {  	_ = 	snop  }
__scs_overlays_trampoline_lowered:
0x8: {  	[smem:$0x3FAB] =	sst s0  }
0x9: {  	[smem:$0x3FAC] =	sst s1  }
0xa: {  	[smem:$0x3FAD] =	sst s2  }
0xb: {  	[smem:$0x3FAE] =	sst s3  }
0xc: {  	[smem:$0x3FAF] =	sst s4  }
0xd: {  	[smem:$0x3FB0] =	sst s5  }
0xe: {  	[smem:$0x3FB1] =	sst s6  }
0xf: {  	[smem:$0x3FB2] =	sst s7  }
0x10: {  	[smem:$0x3FB3] =	sst s8  }
0x11: {  	[smem:$0x3FB4] =	sst s9;
	s0 =	simm.s32 @!p0 $0x0  }
0x12: {  	s1 =	sld [smem:$0x3F9A];
	s0 =	simm.s32 @p0 $0x1  }
0x13: {  	[smem:$0x3FB5] =	sst s0;
	s0 =	simm.s32 @!p1 $0x0  }
0x14: {  	s2 =	sld [smem:$0x3F99];
	s0 =	simm.s32 @p1 $0x1  }
0x15: {  	[smem:$0x3FB6] =	sst s0;
	s0 =	simm.s32 @!p2 $0x0  }
0x16: {  	s3 =	sld [smem:$0x3FDB];
	s0 =	simm.s32 @p2 $0x1  }
0x17: {  	s4 =	simm.s32 $0x1BF5;
	[smem:$0x3FB8] =	sst s0  }
0x18: {  	s0 =	sld [smem:$0x3F9B];
	_ =	swait.ge [sflag:s4], $0x0  }
0x19: {  	s7 =	sld [smem:$0x3F9C]  }
0x1a: {  	s8 =	sadd.s32 $0xFFFFE003, lr  }
0x1b: {  	s9 =	sadd.s32 $0xFFFFFEF7, lr;
	s5 =	simm.s32 $0xFFFFFFFF;
	p2 =	slt.u32 s8, $0xFFFFF086  }
0x1c: {  	p1 =	slt.u32 s9, $0xF7A;
	s5 =	simm.s32 @!p2 $0x0  }
0x1d: {  	s5 =	simm.s32 @p1 $0x1;
	p0 =	seq.s32 s7, s2  }
0x1e: {  	s7 =	smul.u32 @!p0 $0xF7A, s2;
	p2 =	seq.s32 @!p0 s5, $0x0  }
0x1f: {  	s9 =	smul.u32 $0xF7A, s1;
	s8 =	simm.s32 @!p0 $0x1BF5;
	p2 =	por !p2, p0  }
0x20: {  	[sflag:s8] =	ssyncset.s32 @!p0 $0xFFFFF086;
	s6 =	sadd.s32 @!p0 s3, s7;
	s7 =	simm.s32 @!p0 $0x108  }
0x21: {  	s3 =	sadd.s32 s3, s9;
	s6 =	sadd.s32 @!p0 $0x88, s6;
	s7 =	simm.s32 @p2 $0x1082  }
0x22: {  	[simem:s7], [sflag:s8] =	dma.local @!p0 [hbm:s6], $0xF7A  }
0x23: {  	s9 =	sor.u32 $0xD0000000, s2;
	s6 =	simm.s32 $0x108;
	_ =	swait.ge @!p0 [sflag:s8], $0x0  }
0x24: {  	s3 =	sadd.s32 $0x88, s3;
	s6 =	simm.s32 @!p1 $0x1082;
	[sflag:s4] =	ssyncset.s32 $0xFFFFF086  }
0x25: {  	[simem:s6], [sflag:s4] =	dma.local [hbm:s3], $0xF7A  }
0x26: {  	[smem:$0x3F9C] =	sst s1;
	(tag) =	ssettag s2;
	_ =	strace s9  }
0x27: {  	s1 =	sld [smem:$0x3FAC]  }
0x28: {  	s2 =	sld [smem:$0x3FAD]  }
0x29: {  	s4 =	sld [smem:$0x3FAF]  }
0x2a: {  	p0 =	seq.s32 s5, $0x0;
	s5 =	sld [smem:$0x3FB0]  }
0x2b: {  	s6 =	sld [smem:$0x3FB1]  }
0x2c: {  	s7 =	sld [smem:$0x3FB2]  }
0x2d: {  	s3 =	simm.s32 $0x108;
	s8 =	sld [smem:$0x3FB3]  }
0x2e: {  	s3 =	simm.s32 @!p0 $0x1082;
	s9 =	sld [smem:$0x3FB4]  }
0x2f: {  	lr =	sadd.s32 s0, s3;
	s0 =	sld [smem:$0x3FAB]  }
0x30: {  	s3 =	sld [smem:$0x3FAE]  }
0x31: {  	[smem:$0x3FB7] =	sst s10  }
0x32: {  	s10 =	sld [smem:$0x3FB5];
	_ =	sdelay $0x3  }
0x33: {  	p0 =	seq.s32 s10, $0x1;
	s10 =	sld [smem:$0x3FB7];
	_ =	sdelay $0x3  }
0x34: {  	[smem:$0x3FB7] =	sst s10  }
0x35: {  	s10 =	sld [smem:$0x3FB6];
	_ =	sdelay $0x3  }
0x36: {  	p1 =	seq.s32 s10, $0x1;
	s10 =	sld [smem:$0x3FB7];
	_ =	sdelay $0x3  }
0x37: {  	[smem:$0x3FB7] =	sst s10  }
0x38: {  	s10 =	sld [smem:$0x3FB8]  }
0x39: {  	_ = 	snop;
	(pc) =	sbr.ind lr, $3  }
0x3a: {  	_ = 	snop  }
0x3b: {  	_ = 	snop  }
0x3c: {  	p2 =	seq.s32 s10, $0x1;
	s10 =	sld [smem:$0x3FB7]  }
0x3d: {  	_ =	shalt  }
0x3e: {  	_ =	shalt  }
0x3f: {  	_ =	shalt  }
0x40: {  	_ =	shalt  }
0x41: {  	_ =	shalt  }
0x42: {  	_ =	shalt  }
0x43: {  	_ =	shalt  }
0x44: {  	_ =	shalt  }
0x45: {  	_ =	shalt  }
0x46: {  	_ =	shalt  }
0x47: {  	_ =	shalt  }
0x48: {  	_ =	shalt  }
0x49: {  	_ =	shalt  }
0x4a: {  	_ =	shalt  }
0x4b: {  	_ =	shalt  }
0x4c: {  	_ =	shalt  }
0x4d: {  	_ =	shalt  }
0x4e: {  	_ =	shalt  }
0x4f: {  	_ =	shalt  }
0x50: {  	_ =	shalt  }
0x51: {  	_ =	shalt  }
0x52: {  	_ =	shalt  }
0x53: {  	_ =	shalt  }
0x54: {  	_ =	shalt  }
0x55: {  	_ =	shalt  }
0x56: {  	_ =	shalt  }
0x57: {  	_ =	shalt  }
0x58: {  	_ =	shalt  }
0x59: {  	_ =	shalt  }
0x5a: {  	_ =	shalt  }
0x5b: {  	_ =	shalt  }
0x5c: {  	_ =	shalt  }
0x5d: {  	_ =	shalt  }
0x5e: {  	_ =	shalt  }
0x5f: {  	_ =	shalt  }
0x60: {  	_ =	shalt  }
0x61: {  	_ =	shalt  }
0x62: {  	_ =	shalt  }
0x63: {  	_ =	shalt  }
0x64: {  	_ =	shalt  }
0x65: {  	_ =	shalt  }
0x66: {  	_ =	shalt  }
0x67: {  	_ =	shalt  }
0x68: {  	_ =	shalt  }
0x69: {  	_ =	shalt  }
0x6a: {  	_ =	shalt  }
0x6b: {  	_ =	shalt  }
0x6c: {  	_ =	shalt  }
0x6d: {  	_ =	shalt  }
0x6e: {  	_ =	shalt  }
0x6f: {  	_ =	shalt  }
0x70: {  	_ =	shalt  }
0x71: {  	_ =	shalt  }
0x72: {  	_ =	shalt  }
0x73: {  	_ =	shalt  }
0x74: {  	_ =	shalt  }
0x75: {  	_ =	shalt  }
0x76: {  	_ =	shalt  }
0x77: {  	_ =	shalt  }
0x78: {  	_ =	shalt  }
0x79: {  	_ =	shalt  }
0x7a: {  	_ =	shalt  }
0x7b: {  	_ =	shalt  }
0x7c: {  	_ =	shalt  }
0x7d: {  	_ =	shalt  }
0x7e: {  	_ =	shalt  }
0x7f: {  	_ =	shalt  }
0x80: {  	_ =	shalt  }
0x81: {  	_ =	shalt  }
0x82: {  	_ =	shalt  }
0x83: {  	_ =	shalt  }
0x84: {  	_ =	shalt  }
0x85: {  	_ =	shalt  }
0x86: {  	_ =	shalt  }
0x87: {  	_ =	shalt  }
.Lfunc_end0:
.L_simem_size_0:
called_computation_lowered:
.L_overlay_start_0:
0x88: {  	s2 =	sld [smem:$0x3FD9]  }
0x89: {  	s3 =	sld [smem:$0x3FFE];
	_ =	sdelay $0x1  }
0x8a: {  	s1 =	srdreg.scid  }
0x8b: {  	s0 =	sand.u32 $0x1, s1  }
0x8c: {  	s17 =	sshll.u32 s0, $0xA;
	s2 =	sadd.s32 s3, s2  }
0x8d: {  	s2 =	sadd.s32 s2, s17  }
0x8e: {  	[smem:$0x3FC3] =	sst s2  }
0x8f: {  	_ = 	snop  }
0x90: {  	s2 =	sld [smem:$0x3FC9]  }
0x91: {  	s18 =	sld [smem:$0x3FD0];
	(tm) =	ssettm $0x1  }
0x92: {  	s4 =	sld [smem:$0x3FFB];
	_ =	sdelay $0x3  }
0x93: {  	_ =	strace s4  }
0x94: {  	s4 =	sld [smem:$0x3FFC];
	_ =	sdelay $0x3  }
0x95: {  	_ =	strace s4  }
0x96: {  	s4 =	sld [smem:$0x3FFD];
	_ =	sdelay $0x3  }
0x97: {  	_ =	strace s4  }
0x98: {  	_ =	strace $0x8FFFFFFF  }
0x99: {  	s19 =	sld [smem:$0x3FDB];
	_ =	sdelay $0x1  }
0x9a: {  	s5 =	simm.s32 $_scs_section_size  }
0x9b: {  	s6 =	simm.s32 $_size__tile_overlayer_lowered;
	s7 =	simm.s32 $_tile_overlayer_lowered  }
0x9c: {  	s22 =	simm.s32 $0x1BFF;
	s21 =	sshll.u32 s7, $0x1;
	s4 =	sadd.s32 s5, s19  }
0x9d: {  	s8 =	simm.s32 $0x0;
	s20 =	sshll.u32 s6, $0x1;
	s6 =	sadd.s32 s21, s4  }
0x9e: {  	[timem:s8], [sflag:s22] =	dma.local [hbm:s6], s20  }
0x9f: {  	_ =	swait.ge [sflag:s22], s20  }
0xa0: {  	s5 =	ssub.s32 $0x0, s20;
	[sflag:s22] =	ssyncset.done $0x0  }
0xa1: {  	[sflag:s22] =	ssyncadd.s32 s5;
	_ =	sdelay $0x1  }
0xa2: {  	s23 =	simm.s32 $0x1B8B  }
0xa3: {  	_ =	swait.ge [sflag:s23], $0x1  }
0xa4: {  	[sflag:s23] =	ssyncset.done $0x0  }
0xa5: {  	s25 =	simm.s32 $0x1B8E;
	s24 =	sld [smem:$0x3FFE];
	[sflag:s23] =	ssyncadd.s32 $0xFFFFFFFF  }
0xa6: {  	s26 =	simm.s32 $execute0_lowered;
	[smem:$0x3FD2] =	sst s25  }
0xa7: {  	s6 =	sshll.u32 s26, $0x1;
	_ =	strace $0x80000046;
	[dreg:$0x1] =	wrdreg $0xFFFFFFFF  }
0xa8: {  	s28 =	simm.s32 $_size_execute0_lowered;
	s4 =	sadd.s32 s4, s6;
	[dreg:$0x0] =	wrdreg $0x0  }
0xa9: {  	s6 =	sshll.u32 s28, $0x1;
	[dreg:$0x2] =	wrdreg s4  }
0xaa: {  	[dreg:$0x3] =	wrdreg s6  }
0xab: {  	[dreg:$0x4] =	wrdreg $0xC0  }
0xac: {  	_ =	task [dreg:s8], $0x5FFFF  }
0xad: {  	[dreg:$0x1] =	wrdreg $0xFFFFFFFF  }
0xae: {  	[dreg:$0x0] =	wrdreg $0x60  }
0xaf: {  	[dreg:$0x2] =	wrdreg s2  }
0xb0: {  	[dreg:$0x3] =	wrdreg s24  }
0xb1: {  	[dreg:$0x4] =	wrdreg s18  }
0xb2: {  	[dreg:$0x5] =	wrdreg $0x9  }
0xb3: {  	_ =	task.clear_ibuf [dreg:s8], $0x6FFFF;
	_ =	strace $0x90000046  }
0xb4: {  	s29 =	simm.s32 $0x9;
	_ =	strace $0x80000048  }
0xb5: {  	_ =	swait.ge [sflag:s29], $0x1  }
0xb6: {  	[sflag:s29] =	ssyncadd.s32 $0xFFFFFFFF  }
0xb7: {  	_ =	strace $0x90000048  }
0xb8: {  	_ =	sfence  }
0xb9: {  	s30 =	sld [smem:$0x0];
	_ =	sdelay $0x2  }
0xba: {  	s31 =	sshll.u32 s1, $0xD;
	s1 =	sshrl.u32 s1, $0x2  }
0xbb: {  	s3 =	sand.u32 $0x4000, s31;
	s1 =	sadd.s32 s1, s30  }
0xbc: {  	s0 =	sor.u32 s3, s0;
	s1 =	sshll.u32 s1, $0x11  }
0xbd: {  	s0 =	sor.u32 s1, s0  }
0xbe: {  	s0 =	sadd.s32 $0x8F2B, s0  }
0xbf: {  	[sflag:s0] =	ssyncadd.remote.s32 $0x1  }
0xc0: {  	_ =	sfence.sel $0xFFFF  }
0xc1: {  	[dreg:$0x0] =	wrdreg $0xFFFFFFFF;
	(pc) =	sbr.abs _section_cstart, $3  }
0xc2: {  	[dreg:$0x1] =	wrdreg $0xFFFFFFFF  }
0xc3: {  	_ =	task.clear_ibuf [dreg:s8], $0x2FFFF;
	_ =	strace $0x9FFFFFFF  }
0xc4: {  	(tm) =	ssettm $0x7FFFFFFF  }
0xc5: {  	_ =	shalt  }
tec
execute0_lowered:
.L_overlay_start_1:
0x0: {  	(tag) =	ssettag $0x1  }
0x1: {  	s1 =	rddreg [dreg:$0x0];
	s2 =	srdreg.scid  }
0x2: {  	s0 =	stileid.u32;
	s7 =	rddreg [dreg:$0x1]  }
0x3: {  	s10 =	simm.s32 $0xA00;
	s11 =	simm.s32 $0x1200;
	s13 =	simm.s32 $0x1A00  }
0x4: {  	s14 =	simm.s32 $0x2200;
	s6 =	sand.u32 $0x1, s2;
	s3 =	sshll.u32 s0, $0x1  }
0x5: {  	s2 =	rddreg [dreg:$0x2];
	s5 =	sor.u32 s6, s3;
	s3 =	simm.s32 $0x0  }
0x6: {  	s15 =	simm.s32 $0x2A00;
	s16 =	simm.s32 $0x3A00;
	[smem:$0x7FF] =	sst s3  }
0x7: {  	s17 =	simm.s32 $0x4200;
	_ =	strace $0x80000047;
	[dreg:$0x9] =	wrdreg s10  }
0x8: {  	s18 =	simm.s32 $0x4A00;
	s19 =	simm.s32 $0x5200;
	[dreg:$0xa] =	wrdreg s11  }
0x9: {  	s20 =	simm.s32 $0x5A00;
	s21 =	simm.s32 $0x6A00;
	[dreg:$0xb] =	wrdreg s13  }
0xa: {  	s22 =	simm.s32 $0x7200;
	s23 =	simm.s32 $0x7A00;
	[dreg:$0xc] =	wrdreg s14  }
0xb: {  	s24 =	simm.s32 $0x8200;
	s25 =	simm.s32 $0x8A00;
	[dreg:$0xd] =	wrdreg s15  }
0xc: {  	s28 =	simm.s32 $0x100;
	s29 =	simm.s32 $0xD200;
	[dreg:$0xe] =	wrdreg s16  }
0xd: {  	s30 =	simm.s32 $0x180;
	s31 =	simm.s32 $0xDA00;
	[dreg:$0xf] =	wrdreg s17  }
0xe: {  	s6 =	ssub.s32 $0x2, s6;
	s4 =	smul.u32 $0x1800, s5;
	[dreg:$0x10] =	wrdreg s18  }
0xf: {  	s8 =	sshll.u32 s5, $0x6;
	s9 =	smul.u32 $0xC000, s5;
	[dreg:$0x11] =	wrdreg s19  }
0x10: {  	s5 =	sshll.u32 s5, $0xA;
	s12 =	sshrl.u32 s6, $0x1;
	[dreg:$0x12] =	wrdreg s20  }
0x11: {  	s8 =	sadd.s32 s8, s7;
	s5 =	sadd.s32 s5, s7;
	[dreg:$0x13] =	wrdreg s21  }
0x12: {  	s10 =	simm.s32 $0x200;
	s11 =	simm.s32 $0x3200;
	[dreg:$0x14] =	wrdreg s22  }
0x13: {  	s13 =	simm.s32 $0x9200;
	s14 =	simm.s32 $0xC200;
	[dreg:$0x15] =	wrdreg s23  }
0x14: {  	s15 =	simm.s32 $0x1;
	s16 =	simm.s32 $0x2;
	[dreg:$0x16] =	wrdreg s24  }
0x15: {  	s17 =	simm.s32 $0x3;
	[dreg:$0x17] =	wrdreg s25;
	s18 =	simm.s32 $0x4  }
0x16: {  	s20 =	simm.s32 $0xAA00;
	s21 =	simm.s32 $0xB200;
	s22 =	simm.s32 $0xBA00  }
0x17: {  	s23 =	simm.s32 $0x5;
	s24 =	simm.s32 $0x10;
	s25 =	simm.s32 $0x80  }
0x18: {  	s8 =	sadd.s32 $0x8C00, s8;
	s4 =	sadd.s32 s1, s4;
	s9 =	sshrl.u32 s9, $0x3  }
0x19: {  	[dreg:$0x4] =	wrdreg s8;
	s26 =	sadd.s32 $0x600, s4;
	s1 =	sadd.s32 s1, s9  }
0x1a: {  	s9 =	sadd.s32 $0xC00, s5;
	s5 =	sadd.s32 $0x9400, s7;
	s8 =	ssub.s32 s6, s12  }
0x1b: {  	s6 =	sadd.s32 $0x9500, s7;
	s7 =	sadd.s32 $0x9600, s7;
	[dreg:$0x5] =	wrdreg s26  }
0x1c: {  	s12 =	simm.s32 $0x6200;
	s0 =	sadd.s32 $0xC00, s1;
	[dreg:$0x8] =	wrdreg s9  }
0x1d: {  	v2 =	vlaneseq.u32;
	s1 =	sadd.s32 $0x1200, s1;
	s8 =	smax.u32 s8, $0x1;
	[dreg:$0x6] =	wrdreg s0  }
0x1e: {  	vm0 =	vmmov $0xffff;
	v1 =	vshrl.u32 v2, $0x3;
	s9 =	simm.s32 $0x7;
	s26 =	simm.s32 $0x9A00;
	[dreg:$0x7] =	wrdreg s1  }
0x1f: {  	v0 =	vand.u32 $0x7, v2;
	v2 =	vor.u32 $0x8, v2;
	v1 =	vmul.u32 $0x8, v1;
	[dreg:$0x18] =	wrdreg s26;
	s26 =	simm.s32 $0xCA00;
	s1 =	simm.s32 $0x6  }
.LBB2_1:
0x20: {  	s0 =	rddreg [dreg:$0x4]  }
0x21: {  	[tilespmem:s3], [sflag:$0x7] =	stream.linear.gather [hbm4b:s0+s3], $0x200, $0x38;
	[tilespmem:$0xE200] =	vst v63  }
0x22: {  	_ =	swait.ge [sflag:s9], $0x200  }
0x23: {  	[sflag:s9] =	ssyncset.done $0x0  }
0x24: {  	[sflag:s9] =	ssyncadd.s32 $0xFFFFFE00  }
0x25: {  	[tilespmem:s10], [sflag:$0x1] =	stream.linear.gather [hbm4b:s4+s3], $0x3000, $0x38;
	[tilespmem:$0xE200] =	vst v63  }
0x26: {  	s0 =	rddreg [dreg:$0x5]  }
0x27: {  	[tilespmem:s11], [sflag:$0x2] =	stream.linear.gather [hbm4b:s0+s3], $0x3000, $0x38;
	[tilespmem:$0xE200] =	vst v63  }
0x28: {  	s19 =	rddreg [dreg:$0x6]  }
0x29: {  	[tilespmem:s12], [sflag:$0x3] =	stream.linear.gather [hbm4b:s19+s3], $0x3000, $0x38;
	[tilespmem:$0xE200] =	vst v63  }
0x2a: {  	s0 =	rddreg [dreg:$0x7]  }
0x2b: {  	[tilespmem:s13], [sflag:$0x4] =	stream.linear.gather [hbm4b:s0+s3], $0x3000, $0x38;
	[tilespmem:$0xE200] =	vst v63  }
0x2c: {  	s19 =	rddreg [dreg:$0x8]  }
0x2d: {  	[tilespmem:s14], [sflag:$0x5] =	stream.linear.gather [hbm4b:s19+s3], $0x2000, $0x38;
	[tilespmem:$0xE200] =	vst v63  }
0x2e: {  	_ =	swait.ge [sflag:s15], $0x3000  }
0x2f: {  	[sflag:s15] =	ssyncset.done $0x0  }
0x30: {  	[sflag:s15] =	ssyncadd.s32 $0xFFFFD000  }
0x31: {  	v3 =	vld [tilespmem:$0x0];
	_ =	sdelay $0x4  }
0x32: {  	v4 =	vshrl.u32 v3, $0x3  }
0x33: {  	v4 =	vmul.u32 $0x30, v4  }
0x34: {  	v3 =	vand.u32 $0x7, v3  }
0x35: {  	v3 =	vor.u32 v3, v4  }
0x36: {  	v4 =	vperm.xlane v3, v0;
	_ =	sdelay $0x1  }
0x37: {  	v4 =	vadd.s32 v1, v4;
	_ =	sdelay $0x3  }
0x38: {  	v3 =	vperm.xlane v3, v2  }
0x39: {  	[hbm4b:s5+s3] =	stream.indirect_vreg.scatter [tilespmem:s10], [sflag:$0x6], $0x80, v4, vm0, $0xb8;
	[tilespmem:$0xE200] =	vst v63  }
0x3a: {  	s0 =	rddreg [dreg:$0x9];
	v3 =	vadd.s32 v1, v3  }
0x3b: {  	[hbm4b:s6+s3] =	stream.indirect_vreg.scatter [tilespmem:s0], [sflag:$0x6], $0x80, v4, vm0, $0xb8;
	[tilespmem:$0xE200] =	vst v63  }
0x3c: {  	s19 =	rddreg [dreg:$0xa]  }
0x3d: {  	[hbm4b:s7+s3] =	stream.indirect_vreg.scatter [tilespmem:s19], [sflag:$0x6], $0x80, v4, vm0, $0xb8;
	[tilespmem:$0xE200] =	vst v63  }
0x3e: {  	s0 =	rddreg [dreg:$0xb]  }
0x3f: {  	[hbm4b:s5+s3] =	stream.indirect_vreg.scatter [tilespmem:s0], [sflag:$0x6], $0x80, v3, vm0, $0xb8;
	[tilespmem:$0xE200] =	vst v63  }
0x40: {  	s19 =	rddreg [dreg:$0xc]  }
0x41: {  	[hbm4b:s6+s3] =	stream.indirect_vreg.scatter [tilespmem:s19], [sflag:$0x6], $0x80, v3, vm0, $0xb8;
	[tilespmem:$0xE200] =	vst v63  }
0x42: {  	s0 =	rddreg [dreg:$0xd]  }
0x43: {  	[hbm4b:s7+s3] =	stream.indirect_vreg.scatter [tilespmem:s0], [sflag:$0x6], $0x80, v3, vm0, $0xb8;
	[tilespmem:$0xE200] =	vst v63  }
0x44: {  	_ =	swait.ge [sflag:s16], $0x3000  }
0x45: {  	[sflag:s16] =	ssyncset.done $0x0  }
0x46: {  	[sflag:s16] =	ssyncadd.s32 $0xFFFFD000  }
0x47: {  	v3 =	vld [tilespmem:$0x80];
	_ =	sdelay $0x4  }
0x48: {  	v61 =	vshrl.u32 v3, $0x3  }
0x49: {  	v4 =	vmul.u32 $0x30, v61  }
0x4a: {  	v3 =	vand.u32 $0x7, v3  }
0x4b: {  	v3 =	vor.u32 v3, v4  }
0x4c: {  	v4 =	vperm.xlane v3, v0;
	_ =	sdelay $0x1  }
0x4d: {  	v4 =	vadd.s32 v1, v4;
	_ =	sdelay $0x3  }
0x4e: {  	v3 =	vperm.xlane v3, v2  }
0x4f: {  	[hbm4b:s5+s3] =	stream.indirect_vreg.scatter [tilespmem:s11], [sflag:$0x6], $0x80, v4, vm0, $0xb8;
	[tilespmem:$0xE200] =	vst v63  }
0x50: {  	s0 =	rddreg [dreg:$0xe];
	v3 =	vadd.s32 v1, v3  }
0x51: {  	[hbm4b:s6+s3] =	stream.indirect_vreg.scatter [tilespmem:s0], [sflag:$0x6], $0x80, v4, vm0, $0xb8;
	[tilespmem:$0xE200] =	vst v63  }
0x52: {  	s19 =	rddreg [dreg:$0xf]  }
0x53: {  	[hbm4b:s7+s3] =	stream.indirect_vreg.scatter [tilespmem:s19], [sflag:$0x6], $0x80, v4, vm0, $0xb8;
	[tilespmem:$0xE200] =	vst v63  }
0x54: {  	s0 =	rddreg [dreg:$0x10]  }
0x55: {  	[hbm4b:s5+s3] =	stream.indirect_vreg.scatter [tilespmem:s0], [sflag:$0x6], $0x80, v3, vm0, $0xb8;
	[tilespmem:$0xE200] =	vst v63  }
0x56: {  	s19 =	rddreg [dreg:$0x11]  }
0x57: {  	[hbm4b:s6+s3] =	stream.indirect_vreg.scatter [tilespmem:s19], [sflag:$0x6], $0x80, v3, vm0, $0xb8;
	[tilespmem:$0xE200] =	vst v63  }
0x58: {  	s0 =	rddreg [dreg:$0x12]  }
0x59: {  	[hbm4b:s7+s3] =	stream.indirect_vreg.scatter [tilespmem:s0], [sflag:$0x6], $0x80, v3, vm0, $0xb8;
	[tilespmem:$0xE200] =	vst v63  }
0x5a: {  	_ =	swait.ge [sflag:s17], $0x3000  }
0x5b: {  	[sflag:s17] =	ssyncset.done $0x0  }
0x5c: {  	[sflag:s17] =	ssyncadd.s32 $0xFFFFD000  }
0x5d: {  	v3 =	vld [tilespmem:$0x100];
	_ =	sdelay $0x4  }
0x5e: {  	v62 =	vshrl.u32 v3, $0x3  }
0x5f: {  	v4 =	vmul.u32 $0x30, v62  }
0x60: {  	v3 =	vand.u32 $0x7, v3  }
0x61: {  	v3 =	vor.u32 v3, v4  }
0x62: {  	v4 =	vperm.xlane v3, v0;
	_ =	sdelay $0x1  }
0x63: {  	v4 =	vadd.s32 v1, v4;
	_ =	sdelay $0x3  }
0x64: {  	v3 =	vperm.xlane v3, v2  }
0x65: {  	[hbm4b:s5+s3] =	stream.indirect_vreg.scatter [tilespmem:s12], [sflag:$0x6], $0x80, v4, vm0, $0xb8;
	[tilespmem:$0xE200] =	vst v63  }
0x66: {  	s0 =	rddreg [dreg:$0x13];
	v3 =	vadd.s32 v1, v3  }
0x67: {  	[hbm4b:s6+s3] =	stream.indirect_vreg.scatter [tilespmem:s0], [sflag:$0x6], $0x80, v4, vm0, $0xb8;
	[tilespmem:$0xE200] =	vst v63  }
0x68: {  	s19 =	rddreg [dreg:$0x14]  }
0x69: {  	[hbm4b:s7+s3] =	stream.indirect_vreg.scatter [tilespmem:s19], [sflag:$0x6], $0x80, v4, vm0, $0xb8;
	[tilespmem:$0xE200] =	vst v63  }
0x6a: {  	s0 =	rddreg [dreg:$0x15]  }
0x6b: {  	[hbm4b:s5+s3] =	stream.indirect_vreg.scatter [tilespmem:s0], [sflag:$0x6], $0x80, v3, vm0, $0xb8;
	[tilespmem:$0xE200] =	vst v63  }
0x6c: {  	s19 =	rddreg [dreg:$0x16]  }
0x6d: {  	[hbm4b:s6+s3] =	stream.indirect_vreg.scatter [tilespmem:s19], [sflag:$0x6], $0x80, v3, vm0, $0xb8;
	[tilespmem:$0xE200] =	vst v63  }
0x6e: {  	s0 =	rddreg [dreg:$0x17]  }
0x6f: {  	[hbm4b:s7+s3] =	stream.indirect_vreg.scatter [tilespmem:s0], [sflag:$0x6], $0x80, v3, vm0, $0xb8;
	[tilespmem:$0xE200] =	vst v63  }
0x70: {  	_ =	swait.ge [sflag:s18], $0x3000  }
0x71: {  	[sflag:s18] =	ssyncset.done $0x0  }
0x72: {  	[sflag:s18] =	ssyncadd.s32 $0xFFFFD000  }
0x73: {  	v3 =	vld [tilespmem:$0x180];
	_ =	sdelay $0x4  }
0x74: {  	v63 =	vshrl.u32 v3, $0x3  }
0x75: {  	v4 =	vmul.u32 $0x30, v63  }
0x76: {  	v3 =	vand.u32 $0x7, v3  }
0x77: {  	v3 =	vor.u32 v3, v4  }
0x78: {  	v4 =	vperm.xlane v3, v0;
	_ =	sdelay $0x1  }
0x79: {  	v4 =	vadd.s32 v1, v4;
	_ =	sdelay $0x3  }
0x7a: {  	v3 =	vperm.xlane v3, v2  }
0x7b: {  	[hbm4b:s5+s3] =	stream.indirect_vreg.scatter [tilespmem:s13], [sflag:$0x6], $0x80, v4, vm0, $0xb8;
	[tilespmem:$0xE200] =	vst v63  }
0x7c: {  	s19 =	rddreg [dreg:$0x18];
	v3 =	vadd.s32 v1, v3  }
0x7d: {  	[hbm4b:s6+s3] =	stream.indirect_vreg.scatter [tilespmem:s19], [sflag:$0x6], $0x80, v4, vm0, $0xb8;
	[tilespmem:$0xE200] =	vst v63  }
0x7e: {  	s19 =	simm.s32 $0xA200  }
0x7f: {  	[hbm4b:s7+s3] =	stream.indirect_vreg.scatter [tilespmem:s19], [sflag:$0x6], $0x80, v4, vm0, $0xb8;
	[tilespmem:$0xE200] =	vst v63  }
0x80: {  	_ = 	snop  }
0x81: {  	[hbm4b:s5+s3] =	stream.indirect_vreg.scatter [tilespmem:s20], [sflag:$0x6], $0x80, v3, vm0, $0xb8;
	[tilespmem:$0xE200] =	vst v63  }
0x82: {  	_ = 	snop  }
0x83: {  	[hbm4b:s6+s3] =	stream.indirect_vreg.scatter [tilespmem:s21], [sflag:$0x6], $0x80, v3, vm0, $0xb8;
	[tilespmem:$0xE200] =	vst v63  }
0x84: {  	_ = 	snop  }
0x85: {  	[hbm4b:s7+s3] =	stream.indirect_vreg.scatter [tilespmem:s22], [sflag:$0x6], $0x80, v3, vm0, $0xb8;
	[tilespmem:$0xE200] =	vst v63  }
0x86: {  	_ =	swait.ge [sflag:s23], $0x2000  }
0x87: {  	[sflag:s23] =	ssyncset.done $0x0  }
0x88: {  	[sflag:s23] =	ssyncadd.s32 $0xFFFFE000  }
0x89: {  	[hbm4b:s2+s24] =	stream.indirect.scatter [tilespmem:s14], [sflag:$0x6], $0x80, s3, s24, $0xb8;
	[tilespmem:$0xE200] =	vst v63  }
0x8a: {  	_ = 	snop  }
0x8b: {  	[hbm4b:s2+s24] =	stream.indirect.scatter [tilespmem:s26], [sflag:$0x6], $0x80, s25, s24, $0xb8;
	[tilespmem:$0xE200] =	vst v63  }
0x8c: {  	_ = 	snop  }
0x8d: {  	[hbm4b:s2+s24] =	stream.indirect.scatter [tilespmem:s29], [sflag:$0x6], $0x80, s28, s24, $0xb8;
	[tilespmem:$0xE200] =	vst v63  }
0x8e: {  	_ = 	snop  }
0x8f: {  	[hbm4b:s2+s24] =	stream.indirect.scatter [tilespmem:s31], [sflag:$0x6], $0x80, s30, s24, $0xb8;
	[tilespmem:$0xE200] =	vst v63  }
0x90: {  	_ =	swait.ge [sflag:s1], $0x3000  }
0x91: {  	[sflag:s1] =	ssyncset.done $0x0  }
0x92: {  	[sflag:s1] =	ssyncadd.s32 $0xFFFFD000  }
0x93: {  	_ =	swait.ge [sflag:s1], $0x3000  }
0x94: {  	[sflag:s1] =	ssyncset.done $0x0  }
0x95: {  	[sflag:s1] =	ssyncadd.s32 $0xFFFFD000  }
0x96: {  	_ =	swait.ge [sflag:s1], $0x3000  }
0x97: {  	[sflag:s1] =	ssyncset.done $0x0  }
0x98: {  	[sflag:s1] =	ssyncadd.s32 $0xFFFFD000  }
0x99: {  	_ =	swait.ge [sflag:s1], $0x3000  }
0x9a: {  	[sflag:s1] =	ssyncset.done $0x0  }
0x9b: {  	[sflag:s1] =	ssyncadd.s32 $0xFFFFD000  }
0x9c: {  	_ =	swait.ge [sflag:s1], $0x800  }
0x9d: {  	[sflag:s1] =	ssyncset.done $0x0  }
0x9e: {  	[sflag:s1] =	ssyncadd.s32 $0xFFFFF800  }
0x9f: {  	_ =	swait.ge [sflag:s1], $0x800  }
0xa0: {  	[sflag:s1] =	ssyncset.done $0x0  }
0xa1: {  	[sflag:s1] =	ssyncadd.s32 $0xFFFFF800  }
0xa2: {  	p0 =	sne.s32 s8, $0x1;
	_ =	swait.ge [sflag:s1], $0x800  }
.Ltmp0:
0xa3: {  	[sflag:s1] =	ssyncset.done $0x0;
	(pc) =	sbr.rel @p0 .LBB2_1-.Ltmp0, $4  }
0xa4: {  	[sflag:s1] =	ssyncadd.s32 $0xFFFFF800  }
0xa5: {  	_ =	swait.ge [sflag:s1], $0x800  }
0xa6: {  	[sflag:s1] =	ssyncset.done $0x0  }
0xa7: {  	s8 =	sadd.s32 $0xFFFFFFFF, s8;
	[sflag:s1] =	ssyncadd.s32 $0xFFFFF800  }
0xa8: {  	_ =	sfence.sel $0x180000  }
0xa9: {  	[bflag:$0x0] =	sbarrier.arrive $0xFFFF  }
0xaa: {  	_ =	strace $0x90000047  }
0xab: {  	s0 =	stileid.u32;
	[bflag:$0x2] =	sbarrier.arrive $0xFFFF  }
0xac: {  	p0 =	sne.s32 s0, $0x0;
	s0 =	rddreg [dreg:$0x3]  }
0xad: {  	s0 =	sadd.s32 @!p0 $0x100000, s0  }
0xae: {  	[sflag:s0] =	ssyncadd.tile.s32 @!p0 $0x1;
	_ =	shalt  }
.Lfunc_end2:
_tile_overlayer_lowered:
.L_overlay_start_2:
0xaf: {  	(tag) =	ssettag $0x2  }
0xb0: {  	s0 =	rddreg [dreg:$0x0];
	s2 =	stileid.u32  }
0xb1: {  	s1 =	rddreg [dreg:$0x1];
	p0 =	sne.s32 s2, $0x0  }
0xb2: {  	s3 =	rddreg [dreg:$0x2];
	[bflag:$0x3] =	sbarrier.arrive $0xFFFF;
	s2 =	simm.s32 @!p0 $0x1C07  }
0xb3: {  	[timem:s3], [sflag:s2] =	dma.local @!p0 [hbm:s0], s1  }
0xb4: {  	s0 =	simm.s32 @!p0 $0x7  }
0xb5: {  	_ =	swait.ge @!p0 [sflag:s0], s1  }
0xb6: {  	s1 =	ssub.s32 @!p0 $0x0, s1;
	[sflag:s0] =	ssyncset.done @!p0 $0x0  }
0xb7: {  	[sflag:s0] =	ssyncadd.s32 @!p0 s1  }
0xb8: {  	[bflag:$0x3] =	sbarrier.arrive $0xFFFF  }
0xb9: {  	_ =	shalt  }

// kernel: kernel.9.cloned.1.call-start
scs
__scs_entry_jumppad:
0x0: {  	(pc) =	sbr.rel $0x88, $3  }
0x1: {  	(tag) =	ssettag $0x0;
	lr =	simm.s32 $0x1  }
0x2: {  	[smem:$0x3F9C] =	sst lr;
	_ =	strace $0xD0000000  }
0x3: {  	_ = 	snop  }
0x4: {  	_ = 	snop  }
0x5: {  	_ = 	snop  }
0x6: {  	_ = 	snop  }
0x7: {  	_ = 	snop  }
__scs_overlays_trampoline_lowered:
0x8: {  	[smem:$0x3FAB] =	sst s0  }
0x9: {  	[smem:$0x3FAC] =	sst s1  }
0xa: {  	[smem:$0x3FAD] =	sst s2  }
0xb: {  	[smem:$0x3FAE] =	sst s3  }
0xc: {  	[smem:$0x3FAF] =	sst s4  }
0xd: {  	[smem:$0x3FB0] =	sst s5  }
0xe: {  	[smem:$0x3FB1] =	sst s6  }
0xf: {  	[smem:$0x3FB2] =	sst s7  }
0x10: {  	[smem:$0x3FB3] =	sst s8  }
0x11: {  	[smem:$0x3FB4] =	sst s9;
	s0 =	simm.s32 @!p0 $0x0  }
0x12: {  	s1 =	sld [smem:$0x3F9A];
	s0 =	simm.s32 @p0 $0x1  }
0x13: {  	[smem:$0x3FB5] =	sst s0;
	s0 =	simm.s32 @!p1 $0x0  }
0x14: {  	s2 =	sld [smem:$0x3F99];
	s0 =	simm.s32 @p1 $0x1  }
0x15: {  	[smem:$0x3FB6] =	sst s0;
	s0 =	simm.s32 @!p2 $0x0  }
0x16: {  	s3 =	sld [smem:$0x3FDB];
	s0 =	simm.s32 @p2 $0x1  }
0x17: {  	s4 =	simm.s32 $0x1BF5;
	[smem:$0x3FB8] =	sst s0  }
0x18: {  	s0 =	sld [smem:$0x3F9B];
	_ =	swait.ge [sflag:s4], $0x0  }
0x19: {  	s7 =	sld [smem:$0x3F9C]  }
0x1a: {  	s8 =	sadd.s32 $0xFFFFE003, lr  }
0x1b: {  	s9 =	sadd.s32 $0xFFFFFEF7, lr;
	s5 =	simm.s32 $0xFFFFFFFF;
	p2 =	slt.u32 s8, $0xFFFFF086  }
0x1c: {  	p1 =	slt.u32 s9, $0xF7A;
	s5 =	simm.s32 @!p2 $0x0  }
0x1d: {  	s5 =	simm.s32 @p1 $0x1;
	p0 =	seq.s32 s7, s2  }
0x1e: {  	s7 =	smul.u32 @!p0 $0xF7A, s2;
	p2 =	seq.s32 @!p0 s5, $0x0  }
0x1f: {  	s9 =	smul.u32 $0xF7A, s1;
	s8 =	simm.s32 @!p0 $0x1BF5;
	p2 =	por !p2, p0  }
0x20: {  	[sflag:s8] =	ssyncset.s32 @!p0 $0xFFFFF086;
	s6 =	sadd.s32 @!p0 s3, s7;
	s7 =	simm.s32 @!p0 $0x108  }
0x21: {  	s3 =	sadd.s32 s3, s9;
	s6 =	sadd.s32 @!p0 $0x88, s6;
	s7 =	simm.s32 @p2 $0x1082  }
0x22: {  	[simem:s7], [sflag:s8] =	dma.local @!p0 [hbm:s6], $0xF7A  }
0x23: {  	s9 =	sor.u32 $0xD0000000, s2;
	s6 =	simm.s32 $0x108;
	_ =	swait.ge @!p0 [sflag:s8], $0x0  }
0x24: {  	s3 =	sadd.s32 $0x88, s3;
	s6 =	simm.s32 @!p1 $0x1082;
	[sflag:s4] =	ssyncset.s32 $0xFFFFF086  }
0x25: {  	[simem:s6], [sflag:s4] =	dma.local [hbm:s3], $0xF7A  }
0x26: {  	[smem:$0x3F9C] =	sst s1;
	(tag) =	ssettag s2;
	_ =	strace s9  }
0x27: {  	s1 =	sld [smem:$0x3FAC]  }
0x28: {  	s2 =	sld [smem:$0x3FAD]  }
0x29: {  	s4 =	sld [smem:$0x3FAF]  }
0x2a: {  	p0 =	seq.s32 s5, $0x0;
	s5 =	sld [smem:$0x3FB0]  }
0x2b: {  	s6 =	sld [smem:$0x3FB1]  }
0x2c: {  	s7 =	sld [smem:$0x3FB2]  }
0x2d: {  	s3 =	simm.s32 $0x108;
	s8 =	sld [smem:$0x3FB3]  }
0x2e: {  	s3 =	simm.s32 @!p0 $0x1082;
	s9 =	sld [smem:$0x3FB4]  }
0x2f: {  	lr =	sadd.s32 s0, s3;
	s0 =	sld [smem:$0x3FAB]  }
0x30: {  	s3 =	sld [smem:$0x3FAE]  }
0x31: {  	[smem:$0x3FB7] =	sst s10  }
0x32: {  	s10 =	sld [smem:$0x3FB5];
	_ =	sdelay $0x3  }
0x33: {  	p0 =	seq.s32 s10, $0x1;
	s10 =	sld [smem:$0x3FB7];
	_ =	sdelay $0x3  }
0x34: {  	[smem:$0x3FB7] =	sst s10  }
0x35: {  	s10 =	sld [smem:$0x3FB6];
	_ =	sdelay $0x3  }
0x36: {  	p1 =	seq.s32 s10, $0x1;
	s10 =	sld [smem:$0x3FB7];
	_ =	sdelay $0x3  }
0x37: {  	[smem:$0x3FB7] =	sst s10  }
0x38: {  	s10 =	sld [smem:$0x3FB8]  }
0x39: {  	_ = 	snop;
	(pc) =	sbr.ind lr, $3  }
0x3a: {  	_ = 	snop  }
0x3b: {  	_ = 	snop  }
0x3c: {  	p2 =	seq.s32 s10, $0x1;
	s10 =	sld [smem:$0x3FB7]  }
0x3d: {  	_ =	shalt  }
0x3e: {  	_ =	shalt  }
0x3f: {  	_ =	shalt  }
0x40: {  	_ =	shalt  }
0x41: {  	_ =	shalt  }
0x42: {  	_ =	shalt  }
0x43: {  	_ =	shalt  }
0x44: {  	_ =	shalt  }
0x45: {  	_ =	shalt  }
0x46: {  	_ =	shalt  }
0x47: {  	_ =	shalt  }
0x48: {  	_ =	shalt  }
0x49: {  	_ =	shalt  }
0x4a: {  	_ =	shalt  }
0x4b: {  	_ =	shalt  }
0x4c: {  	_ =	shalt  }
0x4d: {  	_ =	shalt  }
0x4e: {  	_ =	shalt  }
0x4f: {  	_ =	shalt  }
0x50: {  	_ =	shalt  }
0x51: {  	_ =	shalt  }
0x52: {  	_ =	shalt  }
0x53: {  	_ =	shalt  }
0x54: {  	_ =	shalt  }
0x55: {  	_ =	shalt  }
0x56: {  	_ =	shalt  }
0x57: {  	_ =	shalt  }
0x58: {  	_ =	shalt  }
0x59: {  	_ =	shalt  }
0x5a: {  	_ =	shalt  }
0x5b: {  	_ =	shalt  }
0x5c: {  	_ =	shalt  }
0x5d: {  	_ =	shalt  }
0x5e: {  	_ =	shalt  }
0x5f: {  	_ =	shalt  }
0x60: {  	_ =	shalt  }
0x61: {  	_ =	shalt  }
0x62: {  	_ =	shalt  }
0x63: {  	_ =	shalt  }
0x64: {  	_ =	shalt  }
0x65: {  	_ =	shalt  }
0x66: {  	_ =	shalt  }
0x67: {  	_ =	shalt  }
0x68: {  	_ =	shalt  }
0x69: {  	_ =	shalt  }
0x6a: {  	_ =	shalt  }
0x6b: {  	_ =	shalt  }
0x6c: {  	_ =	shalt  }
0x6d: {  	_ =	shalt  }
0x6e: {  	_ =	shalt  }
0x6f: {  	_ =	shalt  }
0x70: {  	_ =	shalt  }
0x71: {  	_ =	shalt  }
0x72: {  	_ =	shalt  }
0x73: {  	_ =	shalt  }
0x74: {  	_ =	shalt  }
0x75: {  	_ =	shalt  }
0x76: {  	_ =	shalt  }
0x77: {  	_ =	shalt  }
0x78: {  	_ =	shalt  }
0x79: {  	_ =	shalt  }
0x7a: {  	_ =	shalt  }
0x7b: {  	_ =	shalt  }
0x7c: {  	_ =	shalt  }
0x7d: {  	_ =	shalt  }
0x7e: {  	_ =	shalt  }
0x7f: {  	_ =	shalt  }
0x80: {  	_ =	shalt  }
0x81: {  	_ =	shalt  }
0x82: {  	_ =	shalt  }
0x83: {  	_ =	shalt  }
0x84: {  	_ =	shalt  }
0x85: {  	_ =	shalt  }
0x86: {  	_ =	shalt  }
0x87: {  	_ =	shalt  }
.Lfunc_end0:
.L_simem_size_0:
called_computation.1_lowered:
.L_overlay_start_0:
0x88: {  	s2 =	sld [smem:$0x3FD9]  }
0x89: {  	s3 =	sld [smem:$0x3FFE];
	_ =	sdelay $0x1  }
0x8a: {  	s1 =	srdreg.scid  }
0x8b: {  	s0 =	sand.u32 $0x1, s1  }
0x8c: {  	s17 =	sshll.u32 s0, $0xA;
	s2 =	sadd.s32 s3, s2  }
0x8d: {  	s2 =	sadd.s32 s2, s17  }
0x8e: {  	[smem:$0x3FC3] =	sst s2  }
0x8f: {  	_ = 	snop  }
0x90: {  	s2 =	sld [smem:$0x3FD0];
	(tm) =	ssettm $0x1  }
0x91: {  	s18 =	sld [smem:$0x3FFB];
	_ =	sdelay $0x3  }
0x92: {  	_ =	strace s18  }
0x93: {  	s3 =	sld [smem:$0x3FFC];
	_ =	sdelay $0x3  }
0x94: {  	_ =	strace s3  }
0x95: {  	s3 =	sld [smem:$0x3FFD];
	_ =	sdelay $0x3  }
0x96: {  	_ =	strace s3  }
0x97: {  	_ =	strace $0x8FFFFFFF  }
0x98: {  	s19 =	sld [smem:$0x3FDB];
	_ =	sdelay $0x1  }
0x99: {  	s4 =	simm.s32 $_scs_section_size  }
0x9a: {  	s5 =	simm.s32 $_size__tile_overlayer_lowered;
	s6 =	simm.s32 $_tile_overlayer_lowered  }
0x9b: {  	s22 =	simm.s32 $0x1BFF;
	s21 =	sshll.u32 s6, $0x1;
	s3 =	sadd.s32 s4, s19  }
0x9c: {  	s7 =	simm.s32 $0x0;
	s20 =	sshll.u32 s5, $0x1;
	s5 =	sadd.s32 s21, s3  }
0x9d: {  	[timem:s7], [sflag:s22] =	dma.local [hbm:s5], s20  }
0x9e: {  	_ =	swait.ge [sflag:s22], s20  }
0x9f: {  	s4 =	ssub.s32 $0x0, s20;
	[sflag:s22] =	ssyncset.done $0x0  }
0xa0: {  	[sflag:s22] =	ssyncadd.s32 s4;
	_ =	sdelay $0x1  }
0xa1: {  	s23 =	simm.s32 $0x1B8B  }
0xa2: {  	_ =	swait.ge [sflag:s23], $0x1  }
0xa3: {  	[sflag:s23] =	ssyncset.done $0x0  }
0xa4: {  	s25 =	simm.s32 $0x1B8E;
	s24 =	sld [smem:$0x3FFE];
	[sflag:s23] =	ssyncadd.s32 $0xFFFFFFFF  }
0xa5: {  	s26 =	simm.s32 $execute0_lowered;
	[smem:$0x3FD2] =	sst s25  }
0xa6: {  	s5 =	sshll.u32 s26, $0x1;
	_ =	strace $0x80000049;
	[dreg:$0x1] =	wrdreg $0xFFFFFFFF  }
0xa7: {  	s28 =	simm.s32 $_size_execute0_lowered;
	s3 =	sadd.s32 s3, s5;
	[dreg:$0x0] =	wrdreg $0x0  }
0xa8: {  	s5 =	sshll.u32 s28, $0x1;
	[dreg:$0x2] =	wrdreg s3  }
0xa9: {  	[dreg:$0x3] =	wrdreg s5  }
0xaa: {  	[dreg:$0x4] =	wrdreg $0xC0  }
0xab: {  	_ =	task [dreg:s7], $0x5FFFF  }
0xac: {  	[dreg:$0x1] =	wrdreg $0xFFFFFFFF  }
0xad: {  	[dreg:$0x0] =	wrdreg $0x60  }
0xae: {  	[dreg:$0x2] =	wrdreg s24  }
0xaf: {  	[dreg:$0x3] =	wrdreg s2  }
0xb0: {  	[dreg:$0x4] =	wrdreg $0x9  }
0xb1: {  	_ =	task.clear_ibuf [dreg:s7], $0x5FFFF;
	_ =	strace $0x90000049  }
0xb2: {  	s29 =	simm.s32 $0x9;
	_ =	strace $0x8000004B  }
0xb3: {  	_ =	swait.ge [sflag:s29], $0x1  }
0xb4: {  	[sflag:s29] =	ssyncadd.s32 $0xFFFFFFFF  }
0xb5: {  	_ =	strace $0x9000004B  }
0xb6: {  	_ =	sfence  }
0xb7: {  	s30 =	sld [smem:$0x0];
	_ =	sdelay $0x2  }
0xb8: {  	s31 =	sshll.u32 s1, $0xD;
	s1 =	sshrl.u32 s1, $0x2  }
0xb9: {  	s3 =	sand.u32 $0x4000, s31;
	s1 =	sadd.s32 s1, s30  }
0xba: {  	s0 =	sor.u32 s3, s0;
	s1 =	sshll.u32 s1, $0x11  }
0xbb: {  	s0 =	sor.u32 s1, s0  }
0xbc: {  	s0 =	sadd.s32 $0x8F2B, s0  }
0xbd: {  	[sflag:s0] =	ssyncadd.remote.s32 $0x1  }
0xbe: {  	_ =	sfence.sel $0xFFFF  }
0xbf: {  	[dreg:$0x0] =	wrdreg $0xFFFFFFFF;
	(pc) =	sbr.abs _section_cstart, $3  }
0xc0: {  	[dreg:$0x1] =	wrdreg $0xFFFFFFFF  }
0xc1: {  	_ =	task.clear_ibuf [dreg:s7], $0x2FFFF;
	_ =	strace $0x9FFFFFFF  }
0xc2: {  	(tm) =	ssettm $0x7FFFFFFF  }
0xc3: {  	_ =	shalt  }
tec
execute0_lowered:
.L_overlay_start_1:
0x0: {  	(tag) =	ssettag $0x1  }
0x1: {  	s1 =	srdreg.scid;
	s6 =	rddreg [dreg:$0x0]  }
0x2: {  	s0 =	stileid.u32;
	s4 =	rddreg [dreg:$0x1]  }
0x3: {  	s21 =	simm.s32 $0xA00;
	s22 =	simm.s32 $0x1200;
	s23 =	simm.s32 $0x1A00  }
0x4: {  	s24 =	simm.s32 $0x2200;
	s25 =	simm.s32 $0x2A00;
	s26 =	simm.s32 $0x3A00  }
0x5: {  	s9 =	simm.s32 $0x200;
	s10 =	simm.s32 $0x3200;
	s12 =	simm.s32 $0x4A00  }
0x6: {  	s13 =	simm.s32 $0x5200;
	s1 =	sand.u32 $0x1, s1;
	s2 =	sshll.u32 s0, $0x1  }
0x7: {  	s14 =	simm.s32 $0x5A00;
	s3 =	sor.u32 s1, s2;
	s2 =	simm.s32 $0x0  }
0x8: {  	s15 =	simm.s32 $0x6200;
	s28 =	simm.s32 $0x1;
	[smem:$0x7FF] =	sst s2  }
0x9: {  	s29 =	simm.s32 $0x2;
	_ =	strace $0x8000004A;
	[dreg:$0x7] =	wrdreg s21  }
0xa: {  	s30 =	simm.s32 $0x3;
	s31 =	simm.s32 $0x4;
	[dreg:$0x8] =	wrdreg s22  }
0xb: {  	s1 =	ssub.s32 $0x2, s1;
	s5 =	smul.u32 $0x1800, s3;
	[dreg:$0x9] =	wrdreg s23  }
0xc: {  	s7 =	sshll.u32 s3, $0x6;
	s8 =	smul.u32 $0xC000, s3;
	[dreg:$0xa] =	wrdreg s24  }
0xd: {  	s20 =	sshrl.u32 s1, $0x1;
	s16 =	sadd.s32 s7, s6;
	[dreg:$0xb] =	wrdreg s25  }
0xe: {  	s1 =	ssub.s32 s1, s20;
	[dreg:$0xc] =	wrdreg s26;
	s20 =	simm.s32 $0x8A00  }
0xf: {  	s21 =	simm.s32 $0x9200;
	s22 =	simm.s32 $0x9A00;
	s23 =	simm.s32 $0xA200  }
0x10: {  	s24 =	simm.s32 $0xAA00;
	s25 =	simm.s32 $0xB200;
	s26 =	simm.s32 $0xBA00  }
0x11: {  	s7 =	sadd.s32 $0x8C00, s16;
	s3 =	sadd.s32 s4, s5;
	s17 =	sshrl.u32 s8, $0x3  }
0x12: {  	s8 =	simm.s32 $0x6;
	s16 =	simm.s32 $0x6A00;
	[dreg:$0x3] =	wrdreg s7  }
0x13: {  	s18 =	sadd.s32 $0x600, s3;
	s5 =	sadd.s32 s4, s17;
	s4 =	sadd.s32 $0x45600, s6  }
0x14: {  	s7 =	smax.u32 s1, $0x1;
	[dreg:$0x4] =	wrdreg s18;
	s19 =	sadd.s32 $0xC00, s5  }
0x15: {  	v2 =	vlaneseq.u32;
	s17 =	simm.s32 $0x7200;
	s5 =	sadd.s32 $0x1200, s5;
	[dreg:$0x5] =	wrdreg s19  }
0x16: {  	vm0 =	vmmov $0xffff;
	v1 =	vshrl.u32 v2, $0x3;
	s1 =	simm.s32 $0x5;
	s18 =	simm.s32 $0x7A00;
	[dreg:$0x6] =	wrdreg s5  }
0x17: {  	v0 =	vand.u32 $0x7, v2;
	v2 =	vor.u32 $0x8, v2;
	v1 =	vmul.u32 $0x8, v1;
	s5 =	sadd.s32 $0x45700, s6;
	s6 =	sadd.s32 $0x45800, s6;
	s19 =	simm.s32 $0x8200  }
.LBB2_1:
0x18: {  	s0 =	rddreg [dreg:$0x3]  }
0x19: {  	[tilespmem:s2], [sflag:$0x6] =	stream.linear.gather [hbm4b:s0+s2], $0x200, $0x38;
	[tilespmem:$0xC200] =	vst v63  }
0x1a: {  	_ =	swait.ge [sflag:s8], $0x200  }
0x1b: {  	[sflag:s8] =	ssyncset.done $0x0  }
0x1c: {  	[sflag:s8] =	ssyncadd.s32 $0xFFFFFE00  }
0x1d: {  	v3 =	vld [tilespmem:$0x0];
	_ =	sdelay $0x4  }
0x1e: {  	v4 =	vshrl.u32 v3, $0x3  }
0x1f: {  	v4 =	vmul.u32 $0x30, v4  }
0x20: {  	v3 =	vand.u32 $0x7, v3  }
0x21: {  	v3 =	vor.u32 v3, v4  }
0x22: {  	v4 =	vperm.xlane v3, v0;
	_ =	sdelay $0x1  }
0x23: {  	v4 =	vadd.s32 v1, v4;
	_ =	sdelay $0x3  }
0x24: {  	v3 =	vperm.xlane v3, v2  }
0x25: {  	[tilespmem:s9], [sflag:$0x1] =	stream.indirect_vreg.gather [hbm4b:s4+s2], $0x80, v4, vm0, $0xb8;
	[tilespmem:$0xC200] =	vst v63  }
0x26: {  	s0 =	rddreg [dreg:$0x7];
	v3 =	vadd.s32 v1, v3  }
0x27: {  	[tilespmem:s0], [sflag:$0x1] =	stream.indirect_vreg.gather [hbm4b:s5+s2], $0x80, v4, vm0, $0xb8;
	[tilespmem:$0xC200] =	vst v63  }
0x28: {  	s11 =	rddreg [dreg:$0x8]  }
0x29: {  	[tilespmem:s11], [sflag:$0x1] =	stream.indirect_vreg.gather [hbm4b:s6+s2], $0x80, v4, vm0, $0xb8;
	[tilespmem:$0xC200] =	vst v63  }
0x2a: {  	s0 =	rddreg [dreg:$0x9]  }
0x2b: {  	[tilespmem:s0], [sflag:$0x1] =	stream.indirect_vreg.gather [hbm4b:s4+s2], $0x80, v3, vm0, $0xb8;
	[tilespmem:$0xC200] =	vst v63  }
0x2c: {  	s11 =	rddreg [dreg:$0xa]  }
0x2d: {  	[tilespmem:s11], [sflag:$0x1] =	stream.indirect_vreg.gather [hbm4b:s5+s2], $0x80, v3, vm0, $0xb8;
	[tilespmem:$0xC200] =	vst v63  }
0x2e: {  	s0 =	rddreg [dreg:$0xb]  }
0x2f: {  	[tilespmem:s0], [sflag:$0x1] =	stream.indirect_vreg.gather [hbm4b:s6+s2], $0x80, v3, vm0, $0xb8;
	[tilespmem:$0xC200] =	vst v63  }
0x30: {  	v3 =	vld [tilespmem:$0x80];
	_ =	sdelay $0x4  }
0x31: {  	v61 =	vshrl.u32 v3, $0x3  }
0x32: {  	v4 =	vmul.u32 $0x30, v61  }
0x33: {  	v3 =	vand.u32 $0x7, v3  }
0x34: {  	v3 =	vor.u32 v3, v4  }
0x35: {  	v4 =	vperm.xlane v3, v0;
	_ =	sdelay $0x1  }
0x36: {  	v4 =	vadd.s32 v1, v4;
	_ =	sdelay $0x3  }
0x37: {  	v3 =	vperm.xlane v3, v2  }
0x38: {  	[tilespmem:s10], [sflag:$0x2] =	stream.indirect_vreg.gather [hbm4b:s4+s2], $0x80, v4, vm0, $0xb8;
	[tilespmem:$0xC200] =	vst v63  }
0x39: {  	s11 =	rddreg [dreg:$0xc];
	v3 =	vadd.s32 v1, v3  }
0x3a: {  	[tilespmem:s11], [sflag:$0x2] =	stream.indirect_vreg.gather [hbm4b:s5+s2], $0x80, v4, vm0, $0xb8;
	[tilespmem:$0xC200] =	vst v63  }
0x3b: {  	s11 =	simm.s32 $0x4200  }
0x3c: {  	[tilespmem:s11], [sflag:$0x2] =	stream.indirect_vreg.gather [hbm4b:s6+s2], $0x80, v4, vm0, $0xb8;
	[tilespmem:$0xC200] =	vst v63  }
0x3d: {  	_ = 	snop  }
0x3e: {  	[tilespmem:s12], [sflag:$0x2] =	stream.indirect_vreg.gather [hbm4b:s4+s2], $0x80, v3, vm0, $0xb8;
	[tilespmem:$0xC200] =	vst v63  }
0x3f: {  	_ = 	snop  }
0x40: {  	[tilespmem:s13], [sflag:$0x2] =	stream.indirect_vreg.gather [hbm4b:s5+s2], $0x80, v3, vm0, $0xb8;
	[tilespmem:$0xC200] =	vst v63  }
0x41: {  	_ = 	snop  }
0x42: {  	[tilespmem:s14], [sflag:$0x2] =	stream.indirect_vreg.gather [hbm4b:s6+s2], $0x80, v3, vm0, $0xb8;
	[tilespmem:$0xC200] =	vst v63  }
0x43: {  	v3 =	vld [tilespmem:$0x100];
	_ =	sdelay $0x4  }
0x44: {  	v62 =	vshrl.u32 v3, $0x3  }
0x45: {  	v4 =	vmul.u32 $0x30, v62  }
0x46: {  	v3 =	vand.u32 $0x7, v3  }
0x47: {  	v3 =	vor.u32 v3, v4  }
0x48: {  	v4 =	vperm.xlane v3, v0;
	_ =	sdelay $0x1  }
0x49: {  	v4 =	vadd.s32 v1, v4;
	_ =	sdelay $0x3  }
0x4a: {  	v3 =	vperm.xlane v3, v2  }
0x4b: {  	[tilespmem:s15], [sflag:$0x3] =	stream.indirect_vreg.gather [hbm4b:s4+s2], $0x80, v4, vm0, $0xb8;
	[tilespmem:$0xC200] =	vst v63  }
0x4c: {  	v3 =	vadd.s32 v1, v3  }
0x4d: {  	[tilespmem:s16], [sflag:$0x3] =	stream.indirect_vreg.gather [hbm4b:s5+s2], $0x80, v4, vm0, $0xb8;
	[tilespmem:$0xC200] =	vst v63  }
0x4e: {  	_ = 	snop  }
0x4f: {  	[tilespmem:s17], [sflag:$0x3] =	stream.indirect_vreg.gather [hbm4b:s6+s2], $0x80, v4, vm0, $0xb8;
	[tilespmem:$0xC200] =	vst v63  }
0x50: {  	_ = 	snop  }
0x51: {  	[tilespmem:s18], [sflag:$0x3] =	stream.indirect_vreg.gather [hbm4b:s4+s2], $0x80, v3, vm0, $0xb8;
	[tilespmem:$0xC200] =	vst v63  }
0x52: {  	_ = 	snop  }
0x53: {  	[tilespmem:s19], [sflag:$0x3] =	stream.indirect_vreg.gather [hbm4b:s5+s2], $0x80, v3, vm0, $0xb8;
	[tilespmem:$0xC200] =	vst v63  }
0x54: {  	_ = 	snop  }
0x55: {  	[tilespmem:s20], [sflag:$0x3] =	stream.indirect_vreg.gather [hbm4b:s6+s2], $0x80, v3, vm0, $0xb8;
	[tilespmem:$0xC200] =	vst v63  }
0x56: {  	v3 =	vld [tilespmem:$0x180];
	_ =	sdelay $0x4  }
0x57: {  	v63 =	vshrl.u32 v3, $0x3  }
0x58: {  	v4 =	vmul.u32 $0x30, v63  }
0x59: {  	v3 =	vand.u32 $0x7, v3  }
0x5a: {  	v3 =	vor.u32 v3, v4  }
0x5b: {  	v4 =	vperm.xlane v3, v0;
	_ =	sdelay $0x1  }
0x5c: {  	v4 =	vadd.s32 v1, v4;
	_ =	sdelay $0x3  }
0x5d: {  	v3 =	vperm.xlane v3, v2  }
0x5e: {  	[tilespmem:s21], [sflag:$0x4] =	stream.indirect_vreg.gather [hbm4b:s4+s2], $0x80, v4, vm0, $0xb8;
	[tilespmem:$0xC200] =	vst v63  }
0x5f: {  	v3 =	vadd.s32 v1, v3  }
0x60: {  	[tilespmem:s22], [sflag:$0x4] =	stream.indirect_vreg.gather [hbm4b:s5+s2], $0x80, v4, vm0, $0xb8;
	[tilespmem:$0xC200] =	vst v63  }
0x61: {  	_ = 	snop  }
0x62: {  	[tilespmem:s23], [sflag:$0x4] =	stream.indirect_vreg.gather [hbm4b:s6+s2], $0x80, v4, vm0, $0xb8;
	[tilespmem:$0xC200] =	vst v63  }
0x63: {  	_ = 	snop  }
0x64: {  	[tilespmem:s24], [sflag:$0x4] =	stream.indirect_vreg.gather [hbm4b:s4+s2], $0x80, v3, vm0, $0xb8;
	[tilespmem:$0xC200] =	vst v63  }
0x65: {  	_ = 	snop  }
0x66: {  	[tilespmem:s25], [sflag:$0x4] =	stream.indirect_vreg.gather [hbm4b:s5+s2], $0x80, v3, vm0, $0xb8;
	[tilespmem:$0xC200] =	vst v63  }
0x67: {  	_ = 	snop  }
0x68: {  	[tilespmem:s26], [sflag:$0x4] =	stream.indirect_vreg.gather [hbm4b:s6+s2], $0x80, v3, vm0, $0xb8;
	[tilespmem:$0xC200] =	vst v63  }
0x69: {  	_ =	swait.ge [sflag:s28], $0x3000  }
0x6a: {  	[sflag:s28] =	ssyncset.done $0x0  }
0x6b: {  	[sflag:s28] =	ssyncadd.s32 $0xFFFFD000  }
0x6c: {  	[hbm4b:s3+s2] =	stream.linear.scatter [tilespmem:s9], [sflag:$0x5], $0x3000, $0x38;
	[tilespmem:$0xC200] =	vst v63  }
0x6d: {  	_ =	swait.ge [sflag:s29], $0x3000  }
0x6e: {  	[sflag:s29] =	ssyncset.done $0x0  }
0x6f: {  	s11 =	rddreg [dreg:$0x4];
	[sflag:s29] =	ssyncadd.s32 $0xFFFFD000  }
0x70: {  	[hbm4b:s11+s2] =	stream.linear.scatter [tilespmem:s10], [sflag:$0x5], $0x3000, $0x38;
	[tilespmem:$0xC200] =	vst v63  }
0x71: {  	_ =	swait.ge [sflag:s30], $0x3000  }
0x72: {  	[sflag:s30] =	ssyncset.done $0x0  }
0x73: {  	s11 =	rddreg [dreg:$0x5];
	[sflag:s30] =	ssyncadd.s32 $0xFFFFD000  }
0x74: {  	[hbm4b:s11+s2] =	stream.linear.scatter [tilespmem:s15], [sflag:$0x5], $0x3000, $0x38;
	[tilespmem:$0xC200] =	vst v63  }
0x75: {  	_ =	swait.ge [sflag:s31], $0x3000  }
0x76: {  	[sflag:s31] =	ssyncset.done $0x0  }
0x77: {  	s11 =	rddreg [dreg:$0x6];
	[sflag:s31] =	ssyncadd.s32 $0xFFFFD000  }
0x78: {  	[hbm4b:s11+s2] =	stream.linear.scatter [tilespmem:s21], [sflag:$0x5], $0x3000, $0x38;
	[tilespmem:$0xC200] =	vst v63  }
0x79: {  	_ =	swait.ge [sflag:s1], $0x3000  }
0x7a: {  	[sflag:s1] =	ssyncset.done $0x0  }
0x7b: {  	[sflag:s1] =	ssyncadd.s32 $0xFFFFD000  }
0x7c: {  	_ =	swait.ge [sflag:s1], $0x3000  }
0x7d: {  	[sflag:s1] =	ssyncset.done $0x0  }
0x7e: {  	[sflag:s1] =	ssyncadd.s32 $0xFFFFD000  }
0x7f: {  	p0 =	sne.s32 s7, $0x1;
	_ =	swait.ge [sflag:s1], $0x3000  }
.Ltmp0:
0x80: {  	[sflag:s1] =	ssyncset.done $0x0;
	(pc) =	sbr.rel @p0 .LBB2_1-.Ltmp0, $4  }
0x81: {  	[sflag:s1] =	ssyncadd.s32 $0xFFFFD000  }
0x82: {  	_ =	swait.ge [sflag:s1], $0x3000  }
0x83: {  	[sflag:s1] =	ssyncset.done $0x0  }
0x84: {  	s7 =	sadd.s32 $0xFFFFFFFF, s7;
	[sflag:s1] =	ssyncadd.s32 $0xFFFFD000  }
0x85: {  	_ =	sfence.sel $0x180000  }
0x86: {  	[bflag:$0x0] =	sbarrier.arrive $0xFFFF  }
0x87: {  	_ =	strace $0x9000004A  }
0x88: {  	s0 =	stileid.u32;
	[bflag:$0x2] =	sbarrier.arrive $0xFFFF  }
0x89: {  	p0 =	sne.s32 s0, $0x0;
	s0 =	rddreg [dreg:$0x2]  }
0x8a: {  	s0 =	sadd.s32 @!p0 $0x100000, s0  }
0x8b: {  	[sflag:s0] =	ssyncadd.tile.s32 @!p0 $0x1;
	_ =	shalt  }
.Lfunc_end2:
_tile_overlayer_lowered:
.L_overlay_start_2:
0x8c: {  	(tag) =	ssettag $0x2  }
0x8d: {  	s0 =	rddreg [dreg:$0x0];
	s2 =	stileid.u32  }
0x8e: {  	s1 =	rddreg [dreg:$0x1];
	p0 =	sne.s32 s2, $0x0  }
0x8f: {  	s3 =	rddreg [dreg:$0x2];
	[bflag:$0x3] =	sbarrier.arrive $0xFFFF;
	s2 =	simm.s32 @!p0 $0x1C06  }
0x90: {  	[timem:s3], [sflag:s2] =	dma.local @!p0 [hbm:s0], s1  }
0x91: {  	s0 =	simm.s32 @!p0 $0x6  }
0x92: {  	_ =	swait.ge @!p0 [sflag:s0], s1  }
0x93: {  	s1 =	ssub.s32 @!p0 $0x0, s1;
	[sflag:s0] =	ssyncset.done @!p0 $0x0  }
0x94: {  	[sflag:s0] =	ssyncadd.s32 @!p0 s1  }
0x95: {  	[bflag:$0x3] =	sbarrier.arrive $0xFFFF  }
0x96: {  	_ =	shalt  }

</sc_bundles>
